<compile_context>
chip_gen: v7x
topology: tpu7x:2x2x1
jax: 0.10.2.dev20260603
libtpu: 0.0.44.dev20260713+nightly
codegen_flags: <defaults>
</compile_context>

<pallas_src>
import functools

import jax
import jax.numpy as jnp
from jax import lax
from jax.experimental import pallas as pl
from jax.experimental.pallas import tpu as pltpu
from jax.experimental.pallas import tpu_sc as plsc

N = 10000
E = 320000
D = 128
N_PAD = 10240
NTILES = 32
CH = 128
CHUNKS = 79
CHUNKS0 = 95
CHUNKS1 = 2 * CHUNKS - CHUNKS0
E_PAD = NTILES * CHUNKS * CH
ZR = 128
RB = 1024
NB = N_PAD // RB



@functools.cache
def _get_seg_sum_sc():
    mesh = plsc.VectorSubcoreMesh(core_axis_name="c", subcore_axis_name="s")
    return functools.partial(
        pl.kernel,
        mesh=mesh,
        out_type=jax.ShapeDtypeStruct((2 * N_PAD, D), jnp.float32),
        scratch_types=[
            pltpu.VMEM((2, CH), jnp.int32),
            pltpu.VMEM((CH, D), jnp.float32),
            pltpu.VMEM_SHARED((N_PAD, D), jnp.float32),
            pltpu.SemaphoreType.DMA,
        ],
    )(_seg_sum_body)


def _seg_sum_body(x_hbm, epk_hbm, zeros_hbm, out_hbm,
                  idx_v, rows_v, acc_sh, sem):
    c = lax.axis_index("c")
    s = lax.axis_index("s")
    rows_per_tile = N_PAD // 16
    nz = rows_per_tile // ZR

    def zacc(b, _):
        pltpu.sync_copy(
            zeros_hbm, acc_sh.at[pl.ds(s * rows_per_tile + b * ZR, ZR)])
        return 0
    lax.fori_loop(0, nz, zacc, 0)
    plsc.subcore_barrier()

    nchunks = jnp.where(c == 0, CHUNKS0, CHUNKS1)
    cbase = c * (16 * CHUNKS0) + s * nchunks

    def body(j, _):
        pltpu.sync_copy(epk_hbm.at[cbase + j], idx_v)
        pltpu.async_copy(x_hbm.at[idx_v.at[0]], rows_v, sem).wait()
        pltpu.sync_copy(rows_v, acc_sh.at[idx_v.at[1]], add=True)
        return 0
    lax.fori_loop(0, nchunks, body, 0)
    plsc.subcore_barrier()

    def wout(b, _):
        r0 = s * rows_per_tile + b * ZR
        pltpu.sync_copy(acc_sh.at[pl.ds(r0, ZR)],
                        out_hbm.at[pl.ds(c * N_PAD + r0, ZR)])
        return 0
    lax.fori_loop(0, nz, wout, 0)



def _conv_body(a0_ref, a1_ref, x_ref, m_ref, wrel_ref, brel_ref, wroot_ref,
               attn_ref, h_ref, s_ref):
    aggr = a0_ref[...] + a1_ref[...]
    pre = lax.dot_general(aggr, wrel_ref[...], (((1,), (1,)), ((), ())),
                          preferred_element_type=jnp.float32)
    pre = pre + brel_ref[...]
    pre = pre + lax.dot_general(x_ref[...], wroot_ref[...],
                                (((1,), (1,)), ((), ())),
                                preferred_element_type=jnp.float32)
    h = jnp.maximum(pre, 0.0) * m_ref[...]
    h_ref[...] = h
    attn = attn_ref[...]
    norm = jnp.sqrt(jnp.sum(attn * attn)) + 1e-16
    proj = jnp.dot(h, attn, preferred_element_type=jnp.float32) / norm
    s_ref[...] = jnp.tanh(proj)


def _conv_score(aggr2, x, mask, wrel, brel, wroot, attn):
    a0 = aggr2[:N_PAD]
    a1 = aggr2[N_PAD:]
    return pl.pallas_call(
        _conv_body,
        grid=(NB,),
        in_specs=[
            pl.BlockSpec((RB, D), lambda i: (i, 0)),
            pl.BlockSpec((RB, D), lambda i: (i, 0)),
            pl.BlockSpec((RB, D), lambda i: (i, 0)),
            pl.BlockSpec((RB, 1), lambda i: (i, 0)),
            pl.BlockSpec((D, D), lambda i: (0, 0)),
            pl.BlockSpec((1, D), lambda i: (0, 0)),
            pl.BlockSpec((D, D), lambda i: (0, 0)),
            pl.BlockSpec((D, 1), lambda i: (0, 0)),
        ],
        out_specs=[
            pl.BlockSpec((RB, D), lambda i: (i, 0)),
            pl.BlockSpec((RB, 1), lambda i: (i, 0)),
        ],
        out_shape=[
            jax.ShapeDtypeStruct((N_PAD, D), jnp.float32),
            jax.ShapeDtypeStruct((N_PAD, 1), jnp.float32),
        ],
    )(a0, a1, x, mask, wrel, brel.reshape(1, D), wroot, attn.reshape(D, 1))



def _sortable(f):
    u = lax.bitcast_convert_type(f, jnp.uint32)
    return jnp.where(u < jnp.uint32(0x80000000),
                     u | jnp.uint32(0x80000000), ~u)


def _make_select_body(nscores, k):
    def body(*refs):
        score_refs = refs[:nscores]
        alive_ref = refs[nscores]
        out_ref = refs[nscores + 1]
        cand = alive_ref[...] > 0
        selected = jnp.zeros(cand.shape, jnp.bool_)
        rem = jnp.int32(k)
        for sr in score_refs:
            keys = _sortable(sr[...])

            def search(i, t):
                bit = jnp.uint32(1) << (jnp.uint32(31) - i.astype(jnp.uint32))
                cc = t | bit
                cnt = jnp.sum((cand & (keys >= cc)).astype(jnp.int32))
                return jnp.where(cnt >= rem, cc, t)

            T = lax.fori_loop(0, 32, search, jnp.uint32(0))
            gt = cand & (keys > T)
            selected = selected | gt
            rem = rem - jnp.sum(gt.astype(jnp.int32))
            cand = cand & (keys == T)
        idx = (lax.broadcasted_iota(jnp.int32, cand.shape, 0) * 128
               + lax.broadcasted_iota(jnp.int32, cand.shape, 1))

        def search_idx(i, cpos):
            step = jnp.int32(1) << (jnp.int32(14) - i)
            cc = cpos + step
            cnt = jnp.sum((cand & (idx < cc)).astype(jnp.int32))
            return jnp.where(cnt <= rem, cc, cpos)

        cpos = lax.fori_loop(0, 15, search_idx, jnp.int32(0))
        selected = selected | (cand & (idx < cpos))
        out_ref[...] = selected.astype(jnp.float32)
    return body


def _select_topk(scores_planes, alive_plane, k):
    nscores = len(scores_planes)
    return pl.pallas_call(
        _make_select_body(nscores, k),
        out_shape=jax.ShapeDtypeStruct((N_PAD // 128, 128), jnp.float32),
    )(*scores_planes, alive_plane)



def _scale_body(h_ref, s_ref, m_ref, hs_ref, mx_ref, sm_ref):
    i = pl.program_id(0)
    hs = h_ref[...] * s_ref[...] * m_ref[...]
    hs_ref[...] = hs
    mxb = jnp.max(jnp.where(m_ref[...] > 0, hs, -jnp.inf), axis=0, keepdims=True)
    smb = jnp.sum(hs, axis=0, keepdims=True)

    @pl.when(i == 0)
    def _():
        mx_ref[...] = mxb
        sm_ref[...] = smb

    @pl.when(i > 0)
    def _():
        mx_ref[...] = jnp.maximum(mx_ref[...], mxb)
        sm_ref[...] = sm_ref[...] + smb


def _scale_readout(h, s, masknew):
    return pl.pallas_call(
        _scale_body,
        grid=(NB,),
        in_specs=[
            pl.BlockSpec((RB, D), lambda i: (i, 0)),
            pl.BlockSpec((RB, 1), lambda i: (i, 0)),
            pl.BlockSpec((RB, 1), lambda i: (i, 0)),
        ],
        out_specs=[
            pl.BlockSpec((RB, D), lambda i: (i, 0)),
            pl.BlockSpec((1, D), lambda i: (0, 0)),
            pl.BlockSpec((1, D), lambda i: (0, 0)),
        ],
        out_shape=[
            jax.ShapeDtypeStruct((N_PAD, D), jnp.float32),
            jax.ShapeDtypeStruct((1, D), jnp.float32),
            jax.ShapeDtypeStruct((1, D), jnp.float32),
        ],
    )(h, s, masknew)



def _mlp_body(mx1, sm1, mx2, sm2, mx3, sm3, w1, b1, w2, b2, w3, b3, out_ref):
    x1 = jnp.concatenate([mx1[...], sm1[...] * (1.0 / 5000.0)], axis=1)
    x2 = jnp.concatenate([mx2[...], sm2[...] * (1.0 / 2500.0)], axis=1)
    x3 = jnp.concatenate([mx3[...], sm3[...] * (1.0 / 1250.0)], axis=1)
    o = x1 + x2 + x3
    o = lax.dot_general(o, w1[...], (((1,), (1,)), ((), ())),
                        preferred_element_type=jnp.float32) + b1[...]
    o = jnp.maximum(o, 0.0)
    o = lax.dot_general(o, w2[...], (((1,), (1,)), ((), ())),
                        preferred_element_type=jnp.float32) + b2[...]
    o = jnp.maximum(o, 0.0)
    o = lax.dot_general(o, w3[...], (((1,), (1,)), ((), ())),
                        preferred_element_type=jnp.float32) + b3[...]
    out_ref[...] = o


def _final_mlp(ros, lin1_w, lin1_b, lin2_w, lin2_b, lin3_w, lin3_b):
    (mx1, sm1), (mx2, sm2), (mx3, sm3) = ros
    return pl.pallas_call(
        _mlp_body,
        out_shape=jax.ShapeDtypeStruct((1, 10), jnp.float32),
    )(mx1, sm1, mx2, sm2, mx3, sm3,
      lin1_w, lin1_b.reshape(1, -1), lin2_w, lin2_b.reshape(1, -1),
      lin3_w, lin3_b.reshape(1, -1))



def kernel(x, edge_index, batch, conv1_wrel, conv1_brel, conv1_wroot,
           pool1_attn, conv2_wrel, conv2_brel, conv2_wroot, pool2_attn,
           conv3_wrel, conv3_brel, conv3_wroot, pool3_attn,
           lin1_w, lin1_b, lin2_w, lin2_b, lin3_w, lin3_b):
    src = edge_index[0].astype(jnp.int32)
    dst = edge_index[1].astype(jnp.int32)
    pad_e = E_PAD - E
    src_p = jnp.concatenate([src, jnp.zeros((pad_e,), jnp.int32)])
    dst_p = jnp.concatenate([dst, jnp.full((pad_e,), N, jnp.int32)])
    epk = jnp.concatenate(
        [src_p.reshape(NTILES * CHUNKS, 1, CH),
         dst_p.reshape(NTILES * CHUNKS, 1, CH)], axis=1)
    zeros_blk = jnp.zeros((ZR, D), jnp.float32)

    xp = jnp.pad(x, ((0, N_PAD - N), (0, 0)))
    alive = jnp.pad(jnp.ones((N, 1), jnp.float32), ((0, N_PAD - N), (0, 0)))
    alive_plane = alive.reshape(N_PAD // 128, 128)

    layers = [
        (conv1_wrel, conv1_brel, conv1_wroot, pool1_attn, 5000),
        (conv2_wrel, conv2_brel, conv2_wroot, pool2_attn, 2500),
        (conv3_wrel, conv3_brel, conv3_wroot, pool3_attn, 1250),
    ]

    cur = xp
    mask = alive
    score_planes = []
    readouts = []
    for (wrel, brel, wroot, attn, k) in layers:
        aggr2 = _get_seg_sum_sc()(cur, epk, zeros_blk)
        h, s = _conv_score(aggr2, cur, mask, wrel, brel, wroot, attn)
        s_plane = s.reshape(N_PAD // 128, 128)
        score_planes = [s_plane] + score_planes
        mplane = _select_topk(score_planes, alive_plane, k)
        alive_plane = mplane
        mask = mplane.reshape(N_PAD, 1)
        cur, mx, sm = _scale_readout(h, s, mask)
        readouts.append((mx, sm))

    return _final_mlp(readouts, lin1_w, lin1_b, lin2_w, lin2_b, lin3_w, lin3_b)

# --- scband reference (transcript-rebuilt; emitter-appended) ---
"""Pipeline reference for scband-topkpool-57071525429589 (READ-ONLY COPY).

The authoritative reference and input builder live on the scoring server;
editing this copy changes nothing except your own understanding.
"""

import jax, jax.numpy as jnp
import numpy as np
import math

N = 10000
E = 320000
F_IN = 128
HID = 128
NUM_CLASSES = 10
RATIO = 0.5


def _lin(k, out_d, in_d):
    b = 1.0 / math.sqrt(in_d)
    return jax.random.uniform(k, (out_d, in_d), minval=-b, maxval=b, dtype=jnp.float32)


def _bias(k, out_d, in_d):
    b = 1.0 / math.sqrt(in_d)
    return jax.random.uniform(k, (out_d,), minval=-b, maxval=b, dtype=jnp.float32)


def setup_inputs(seed: int = 0) -> dict:
    key = jax.random.key(seed)
    ks = jax.random.split(key, 32)
    inp = {}
    inp["x"] = jax.random.normal(ks[0], (N, F_IN), dtype=jnp.float32)
    inp["edge_index"] = jax.random.randint(ks[1], (2, E), 0, N)
    inp["batch"] = jnp.zeros((N,), dtype=jnp.int32)
    dims = [(F_IN, HID), (HID, HID), (HID, HID)]
    j = 2
    for i, (din, dout) in enumerate(dims, start=1):
        inp["conv%d_wrel" % i] = _lin(ks[j], dout, din); j += 1
        inp["conv%d_brel" % i] = _bias(ks[j], dout, din); j += 1
        inp["conv%d_wroot" % i] = _lin(ks[j], dout, din); j += 1
        inp["pool%d_attn" % i] = jax.random.uniform(ks[j], (dout,), minval=-1.0 / math.sqrt(dout), maxval=1.0 / math.sqrt(dout), dtype=jnp.float32); j += 1
    inp["lin1_w"] = _lin(ks[j], 128, 256); j += 1
    inp["lin1_b"] = _bias(ks[j], 128, 256); j += 1
    inp["lin2_w"] = _lin(ks[j], 64, 128); j += 1
    inp["lin2_b"] = _bias(ks[j], 64, 128); j += 1
    inp["lin3_w"] = _lin(ks[j], NUM_CLASSES, 64); j += 1
    inp["lin3_b"] = _bias(ks[j], NUM_CLASSES, 64); j += 1
    return inp


def _graph_conv(x, src, dst, emask, wrel, brel, wroot):
    # PyG GraphConv (aggr='add'): out = lin_rel(sum_{j->i} x_j) + lin_root(x_i)
    n = x.shape[0]
    src_s = jnp.where(emask > 0, src, 0)
    dst_s = jnp.where(emask > 0, dst, 0)
    msg = x[src_s] * emask[:, None]
    aggr = jax.ops.segment_sum(msg, dst_s, num_segments=n)
    return aggr @ wrel.T + brel + x @ wroot.T


def _topk_pool(x, src, dst, emask, attn, ratio):
    # PyG TopKPooling: score = tanh((x@w)/||w||); keep top ceil(ratio*N) nodes;
    # x' = x[perm] * score[perm]; edges with any dropped endpoint are masked out
    # (fixed-size mask representation instead of compaction, math-equivalent).
    n = x.shape[0]
    k = int(math.ceil(ratio * n))
    score = jnp.tanh((x @ attn) / (jnp.linalg.norm(attn) + 1e-16))
    vals, perm = jax.lax.top_k(score, k)
    x_new = x[perm] * vals[:, None]
    mapping = jnp.full((n,), -1, dtype=jnp.int32).at[perm].set(jnp.arange(k, dtype=jnp.int32))
    new_src = mapping[jnp.where(emask > 0, src, 0)]
    new_dst = mapping[jnp.where(emask > 0, dst, 0)]
    new_mask = emask * (new_src >= 0).astype(x.dtype) * (new_dst >= 0).astype(x.dtype)
    return x_new, new_src, new_dst, new_mask


def _readout(x):
    # single graph (batch all zeros): gmp | gap -> [1, 2*d]
    return jnp.concatenate([jnp.max(x, axis=0, keepdims=True), jnp.mean(x, axis=0, keepdims=True)], axis=1)


def reference(x, edge_index, batch, conv1_wrel, conv1_brel, conv1_wroot, pool1_attn, conv2_wrel, conv2_brel, conv2_wroot, pool2_attn, conv3_wrel, conv3_brel, conv3_wroot, pool3_attn, lin1_w, lin1_b, lin2_w, lin2_b, lin3_w, lin3_b):
    src, dst = edge_index[0], edge_index[1]
    emask = jnp.ones((src.shape[0],), dtype=x.dtype)
    h = jax.nn.relu(_graph_conv(x, src, dst, emask, conv1_wrel, conv1_brel, conv1_wroot))
    h, src, dst, emask = _topk_pool(h, src, dst, emask, pool1_attn, RATIO)
    x1 = _readout(h)
    h = jax.nn.relu(_graph_conv(h, src, dst, emask, conv2_wrel, conv2_brel, conv2_wroot))
    h, src, dst, emask = _topk_pool(h, src, dst, emask, pool2_attn, RATIO)
    x2 = _readout(h)
    h = jax.nn.relu(_graph_conv(h, src, dst, emask, conv3_wrel, conv3_brel, conv3_wroot))
    h, src, dst, emask = _topk_pool(h, src, dst, emask, pool3_attn, RATIO)
    x3 = _readout(h)
    out = x1 + x2 + x3
    out = jax.nn.relu(out @ lin1_w.T + lin1_b)
    # dropout is identity in eval mode
    out = jax.nn.relu(out @ lin2_w.T + lin2_b)
    out = out @ lin3_w.T + lin3_b
    return out

if __name__ == "__main__":
    import jax
    _d = setup_inputs()
    print(jax.jit(kernel)(*tuple(_d.values())))

</pallas_src>

<mosaic_0001>
#map = affine_map<(d0, d1) -> (0, 0)>
#map1 = affine_map<(d0, d1) -> (0, 0, 0)>
module attributes {stable_mosaic.version = 14 : i64} {
  func.func @_seg_sum_body(%arg0: i32, %arg1: i32, %arg2: memref<10240x128xf32, #tpu.memory_space<hbm>>, %arg3: memref<2528x2x128xi32, #tpu.memory_space<hbm>>, %arg4: memref<128x128xf32, #tpu.memory_space<hbm>>, %arg5: memref<20480x128xf32, #tpu.memory_space<hbm>>, %arg6: memref<2x128xi32, #tpu.memory_space<vmem>>, %arg7: memref<128x128xf32, #tpu.memory_space<vmem>>, %arg8: memref<10240x128xf32, #tpu.memory_space<vmem_shared>>, %arg9: memref<!tpu.dma_semaphore, #tpu.memory_space<semaphore_mem>>) attributes {dimension_semantics = [#tpu.dimension_semantics<core_parallel>, #tpu.dimension_semantics<subcore_parallel>], iteration_bounds = array<i64: 2, 16>, scalar_prefetch = 0 : i64, scratch_operands = 4 : i64, tpu.core_type = #tpu.core_type<sc_vector_subcore>, window_params = [{transform_indices = #map}, {transform_indices = #map1}, {transform_indices = #map}, {transform_indices = #map}]} {
    %scan3A = arith.constant 0 : i32
    %scan3A_0 = arith.constant 0 : i32
    %scan3A_1 = arith.constant 5 : i32
    %scan3A_2 = arith.addi %scan3A_0, %scan3A_1 : i32
    %scan3A_3 = arith.constant 1 : i32
    %scan3A_4 = scf.for %scan3A_29 = %scan3A_0 to %scan3A_2 step %scan3A_3 iter_args(%scan3A_30 = %scan3A) -> (i32)  : i32 {
      %mul3A_31 = arith.constant 640 : i32
      %mul3A_32 = arith.muli %arg1, %mul3A_31 : i32
      %mul3A_33 = arith.constant 128 : i32
      %mul3A_34 = arith.muli %scan3A_29, %mul3A_33 : i32
      %add3A_35 = arith.addi %mul3A_32, %mul3A_34 : i32
      "tpu.region"() ({
        %run_scoped3A = tpu.sem_alloc : memref<!tpu.dma_semaphore, #tpu.memory_space<semaphore_mem>>
        %dma_start3A = arith.constant 0 : i32
        %dma_start3A_37 = tpu.memref_slice %arg8[%add3A_35, %dma_start3A] : memref<10240x128xf32, #tpu.memory_space<vmem_shared>> -> memref<128x128xf32, #tpu.memory_space<vmem_shared>>
        tpu.enqueue_dma source(%arg4 : memref<128x128xf32, #tpu.memory_space<hbm>>) target(%dma_start3A_37 : memref<128x128xf32, #tpu.memory_space<vmem_shared>>) target_semaphore(%run_scoped3A : memref<!tpu.dma_semaphore, #tpu.memory_space<semaphore_mem>>)
        %dma_wait3A = arith.constant 0 : i32
        %dma_wait3A_38 = tpu.memref_slice %arg8[%add3A_35, %dma_wait3A] : memref<10240x128xf32, #tpu.memory_space<vmem_shared>> -> memref<128x128xf32, #tpu.memory_space<vmem_shared>>
        tpu.wait_dma2 semaphore(%run_scoped3A : memref<!tpu.dma_semaphore, #tpu.memory_space<semaphore_mem>>) src(%arg4 : memref<128x128xf32, #tpu.memory_space<hbm>>) dst(%dma_wait3A_38 : memref<128x128xf32, #tpu.memory_space<vmem_shared>>)
        tpu.yield
      }) : () -> ()
      %scan3A_36 = arith.constant 0 : i32
      scf.yield %scan3A_36 : i32
    }
    %scan3A_5 = arith.constant 5 : i32
    %barrier3A = arith.constant 0 : index
    tpu.barrier barrier_id(%barrier3A)
    %eq3A = arith.constant 0 : i32
    %eq3A_6 = arith.cmpi eq, %arg0, %eq3A : i32
    %jit3A = arith.constant 95 : i32
    %jit3A_7 = arith.constant 63 : i32
    %select_n3A = arith.select %eq3A_6, %jit3A, %jit3A_7 : i32
    %mul3A = arith.constant 1520 : i32
    %mul3A_8 = arith.muli %arg0, %mul3A : i32
    %mul3A_9 = arith.muli %arg1, %select_n3A : i32
    %add3A = arith.addi %mul3A_8, %mul3A_9 : i32
    %while3A = arith.constant 0 : i32
    %while3A_10 = arith.constant 0 : i32
    %while3A_11 = arith.subi %select_n3A, %while3A : i32
    %while3A_12 = arith.addi %while3A, %while3A_11 : i32
    %while3A_13 = arith.constant 1 : i32
    %while3A_14 = arith.divsi %while3A_11, %while3A_13 : i32
    %while3A_15 = arith.muli %while3A_14, %while3A_13 : i32
    %while3A_16 = arith.addi %while3A, %while3A_15 : i32
    %while3A_17 = arith.constant 1 : i32
    %while3A_18 = scf.for %while3A_29 = %while3A to %while3A_16 step %while3A_17 iter_args(%while3A_30 = %while3A_10) -> (i32)  : i32 {
      %add3A_31 = arith.addi %add3A, %while3A_29 : i32
      "tpu.region"() ({
        %run_scoped3A_45 = tpu.sem_alloc : memref<!tpu.dma_semaphore, #tpu.memory_space<semaphore_mem>>
        %dma_start3A_46 = arith.constant 0 : i32
        %dma_start3A_47 = arith.constant 0 : i32
        %dma_start3A_48 = tpu.memref_slice %arg3[%add3A_31, %dma_start3A_46, %dma_start3A_47] : memref<2528x2x128xi32, #tpu.memory_space<hbm>> -> memref<1x2x128xi32, #tpu.memory_space<hbm>>
        %dma_start3A_49 = tpu.memref_squeeze %dma_start3A_48 : memref<1x2x128xi32, #tpu.memory_space<hbm>> -> memref<2x128xi32, #tpu.memory_space<hbm>>
        %dma_start3A_50 = arith.constant 0 : i32
        %dma_start3A_51 = arith.constant 0 : i32
        %dma_start3A_52 = tpu.memref_slice %arg3[%add3A_31, %dma_start3A_50, %dma_start3A_51] : memref<2528x2x128xi32, #tpu.memory_space<hbm>> -> memref<1x2x128xi32, #tpu.memory_space<hbm>>
        %dma_start3A_53 = tpu.memref_squeeze %dma_start3A_52 : memref<1x2x128xi32, #tpu.memory_space<hbm>> -> memref<2x128xi32, #tpu.memory_space<hbm>>
        tpu.enqueue_dma source(%dma_start3A_53 : memref<2x128xi32, #tpu.memory_space<hbm>>) target(%arg6 : memref<2x128xi32, #tpu.memory_space<vmem>>) target_semaphore(%run_scoped3A_45 : memref<!tpu.dma_semaphore, #tpu.memory_space<semaphore_mem>>)
        %dma_wait3A_54 = arith.constant 0 : i32
        %dma_wait3A_55 = arith.constant 0 : i32
        %dma_wait3A_56 = tpu.memref_slice %arg3[%add3A_31, %dma_wait3A_54, %dma_wait3A_55] : memref<2528x2x128xi32, #tpu.memory_space<hbm>> -> memref<1x2x128xi32, #tpu.memory_space<hbm>>
        %dma_wait3A_57 = tpu.memref_squeeze %dma_wait3A_56 : memref<1x2x128xi32, #tpu.memory_space<hbm>> -> memref<2x128xi32, #tpu.memory_space<hbm>>
        %dma_wait3A_58 = arith.constant 0 : i32
        %dma_wait3A_59 = arith.constant 0 : i32
        %dma_wait3A_60 = tpu.memref_slice %arg3[%add3A_31, %dma_wait3A_58, %dma_wait3A_59] : memref<2528x2x128xi32, #tpu.memory_space<hbm>> -> memref<1x2x128xi32, #tpu.memory_space<hbm>>
        %dma_wait3A_61 = tpu.memref_squeeze %dma_wait3A_60 : memref<1x2x128xi32, #tpu.memory_space<hbm>> -> memref<2x128xi32, #tpu.memory_space<hbm>>
        tpu.wait_dma2 semaphore(%run_scoped3A_45 : memref<!tpu.dma_semaphore, #tpu.memory_space<semaphore_mem>>) src(%dma_wait3A_61 : memref<2x128xi32, #tpu.memory_space<hbm>>) dst(%arg6 : memref<2x128xi32, #tpu.memory_space<vmem>>)
        tpu.yield
      }) : () -> ()
      %dma_start3A = arith.constant 0 : i32
      %dma_start3A_32 = arith.constant 0 : i32
      %dma_start3A_33 = tpu.memref_slice %arg6[%dma_start3A, %dma_start3A_32] : memref<2x128xi32, #tpu.memory_space<vmem>> -> memref<1x128xi32, #tpu.memory_space<vmem>>
      %dma_start3A_34 = tpu.memref_squeeze %dma_start3A_33 : memref<1x128xi32, #tpu.memory_space<vmem>> -> memref<128xi32, #tpu.memory_space<vmem>>
      %dma_start3A_35 = arith.constant 0 : i32
      %dma_start3A_36 = arith.constant 0 : i32
      %dma_start3A_37 = tpu.memref_slice %arg2[%dma_start3A_35, %dma_start3A_36] : memref<10240x128xf32, #tpu.memory_space<hbm>> -> memref<10240x128xf32, #tpu.memory_space<hbm>>
      tpu.enqueue_indirect_dma source(%dma_start3A_37 : memref<10240x128xf32, #tpu.memory_space<hbm>>) target(%arg7 : memref<128x128xf32, #tpu.memory_space<vmem>>) offsets(%dma_start3A_34 : memref<128xi32, #tpu.memory_space<vmem>>) semaphore(%arg9 : memref<!tpu.dma_semaphore, #tpu.memory_space<semaphore_mem>>)
      %dma_wait3A = arith.constant 0 : i32
      %dma_wait3A_38 = arith.constant 0 : i32
      %dma_wait3A_39 = tpu.memref_slice %arg6[%dma_wait3A, %dma_wait3A_38] : memref<2x128xi32, #tpu.memory_space<vmem>> -> memref<1x128xi32, #tpu.memory_space<vmem>>
      %dma_wait3A_40 = tpu.memref_squeeze %dma_wait3A_39 : memref<1x128xi32, #tpu.memory_space<vmem>> -> memref<128xi32, #tpu.memory_space<vmem>>
      %dma_wait3A_41 = arith.constant 0 : i32
      %dma_wait3A_42 = arith.constant 0 : i32
      %dma_wait3A_43 = tpu.memref_slice %arg2[%dma_wait3A_41, %dma_wait3A_42] : memref<10240x128xf32, #tpu.memory_space<hbm>> -> memref<10240x128xf32, #tpu.memory_space<hbm>>
      tpu.wait_indirect_dma semaphore(%arg9 : memref<!tpu.dma_semaphore, #tpu.memory_space<semaphore_mem>>) src(%dma_wait3A_43 : memref<10240x128xf32, #tpu.memory_space<hbm>>) dst(%arg7 : memref<128x128xf32, #tpu.memory_space<vmem>>)
      %run_scoped3A = arith.constant 1 : i32
      "tpu.region"() ({
        %run_scoped3A_45 = tpu.sem_alloc : memref<!tpu.dma_semaphore, #tpu.memory_space<semaphore_mem>>
        %dma_start3A_46 = arith.constant 0 : i32
        %dma_start3A_47 = tpu.memref_slice %arg6[%run_scoped3A, %dma_start3A_46] : memref<2x128xi32, #tpu.memory_space<vmem>> -> memref<1x128xi32, #tpu.memory_space<vmem>>
        %dma_start3A_48 = tpu.memref_squeeze %dma_start3A_47 : memref<1x128xi32, #tpu.memory_space<vmem>> -> memref<128xi32, #tpu.memory_space<vmem>>
        %dma_start3A_49 = arith.constant 0 : i32
        %dma_start3A_50 = arith.constant 0 : i32
        %dma_start3A_51 = tpu.memref_slice %arg8[%dma_start3A_49, %dma_start3A_50] : memref<10240x128xf32, #tpu.memory_space<vmem_shared>> -> memref<10240x128xf32, #tpu.memory_space<vmem_shared>>
        tpu.enqueue_indirect_dma source(%arg7 : memref<128x128xf32, #tpu.memory_space<vmem>>) target(%dma_start3A_51 : memref<10240x128xf32, #tpu.memory_space<vmem_shared>>) offsets(%dma_start3A_48 : memref<128xi32, #tpu.memory_space<vmem>>) semaphore(%run_scoped3A_45 : memref<!tpu.dma_semaphore, #tpu.memory_space<semaphore_mem>>) {add = true}
        %dma_wait3A_52 = arith.constant 0 : i32
        %dma_wait3A_53 = tpu.memref_slice %arg6[%run_scoped3A, %dma_wait3A_52] : memref<2x128xi32, #tpu.memory_space<vmem>> -> memref<1x128xi32, #tpu.memory_space<vmem>>
        %dma_wait3A_54 = tpu.memref_squeeze %dma_wait3A_53 : memref<1x128xi32, #tpu.memory_space<vmem>> -> memref<128xi32, #tpu.memory_space<vmem>>
        %dma_wait3A_55 = arith.constant 0 : i32
        %dma_wait3A_56 = arith.constant 0 : i32
        %dma_wait3A_57 = tpu.memref_slice %arg8[%dma_wait3A_55, %dma_wait3A_56] : memref<10240x128xf32, #tpu.memory_space<vmem_shared>> -> memref<10240x128xf32, #tpu.memory_space<vmem_shared>>
        tpu.wait_indirect_dma semaphore(%run_scoped3A_45 : memref<!tpu.dma_semaphore, #tpu.memory_space<semaphore_mem>>) src(%arg7 : memref<128x128xf32, #tpu.memory_space<vmem>>) dst(%dma_wait3A_57 : memref<10240x128xf32, #tpu.memory_space<vmem_shared>>)
        tpu.yield
      }) : () -> ()
      %while3A_44 = arith.constant 0 : i32
      scf.yield %while3A_44 : i32
    }
    %while3A_19 = arith.constant 1 : i32
    %while3A_20 = scf.for %while3A_29 = %while3A_16 to %while3A_12 step %while3A_19 iter_args(%while3A_30 = %while3A_18) -> (i32)  : i32 {
      %add3A_31 = arith.addi %add3A, %while3A_29 : i32
      "tpu.region"() ({
        %run_scoped3A_45 = tpu.sem_alloc : memref<!tpu.dma_semaphore, #tpu.memory_space<semaphore_mem>>
        %dma_start3A_46 = arith.constant 0 : i32
        %dma_start3A_47 = arith.constant 0 : i32
        %dma_start3A_48 = tpu.memref_slice %arg3[%add3A_31, %dma_start3A_46, %dma_start3A_47] : memref<2528x2x128xi32, #tpu.memory_space<hbm>> -> memref<1x2x128xi32, #tpu.memory_space<hbm>>
        %dma_start3A_49 = tpu.memref_squeeze %dma_start3A_48 : memref<1x2x128xi32, #tpu.memory_space<hbm>> -> memref<2x128xi32, #tpu.memory_space<hbm>>
        %dma_start3A_50 = arith.constant 0 : i32
        %dma_start3A_51 = arith.constant 0 : i32
        %dma_start3A_52 = tpu.memref_slice %arg3[%add3A_31, %dma_start3A_50, %dma_start3A_51] : memref<2528x2x128xi32, #tpu.memory_space<hbm>> -> memref<1x2x128xi32, #tpu.memory_space<hbm>>
        %dma_start3A_53 = tpu.memref_squeeze %dma_start3A_52 : memref<1x2x128xi32, #tpu.memory_space<hbm>> -> memref<2x128xi32, #tpu.memory_space<hbm>>
        tpu.enqueue_dma source(%dma_start3A_53 : memref<2x128xi32, #tpu.memory_space<hbm>>) target(%arg6 : memref<2x128xi32, #tpu.memory_space<vmem>>) target_semaphore(%run_scoped3A_45 : memref<!tpu.dma_semaphore, #tpu.memory_space<semaphore_mem>>)
        %dma_wait3A_54 = arith.constant 0 : i32
        %dma_wait3A_55 = arith.constant 0 : i32
        %dma_wait3A_56 = tpu.memref_slice %arg3[%add3A_31, %dma_wait3A_54, %dma_wait3A_55] : memref<2528x2x128xi32, #tpu.memory_space<hbm>> -> memref<1x2x128xi32, #tpu.memory_space<hbm>>
        %dma_wait3A_57 = tpu.memref_squeeze %dma_wait3A_56 : memref<1x2x128xi32, #tpu.memory_space<hbm>> -> memref<2x128xi32, #tpu.memory_space<hbm>>
        %dma_wait3A_58 = arith.constant 0 : i32
        %dma_wait3A_59 = arith.constant 0 : i32
        %dma_wait3A_60 = tpu.memref_slice %arg3[%add3A_31, %dma_wait3A_58, %dma_wait3A_59] : memref<2528x2x128xi32, #tpu.memory_space<hbm>> -> memref<1x2x128xi32, #tpu.memory_space<hbm>>
        %dma_wait3A_61 = tpu.memref_squeeze %dma_wait3A_60 : memref<1x2x128xi32, #tpu.memory_space<hbm>> -> memref<2x128xi32, #tpu.memory_space<hbm>>
        tpu.wait_dma2 semaphore(%run_scoped3A_45 : memref<!tpu.dma_semaphore, #tpu.memory_space<semaphore_mem>>) src(%dma_wait3A_61 : memref<2x128xi32, #tpu.memory_space<hbm>>) dst(%arg6 : memref<2x128xi32, #tpu.memory_space<vmem>>)
        tpu.yield
      }) : () -> ()
      %dma_start3A = arith.constant 0 : i32
      %dma_start3A_32 = arith.constant 0 : i32
      %dma_start3A_33 = tpu.memref_slice %arg6[%dma_start3A, %dma_start3A_32] : memref<2x128xi32, #tpu.memory_space<vmem>> -> memref<1x128xi32, #tpu.memory_space<vmem>>
      %dma_start3A_34 = tpu.memref_squeeze %dma_start3A_33 : memref<1x128xi32, #tpu.memory_space<vmem>> -> memref<128xi32, #tpu.memory_space<vmem>>
      %dma_start3A_35 = arith.constant 0 : i32
      %dma_start3A_36 = arith.constant 0 : i32
      %dma_start3A_37 = tpu.memref_slice %arg2[%dma_start3A_35, %dma_start3A_36] : memref<10240x128xf32, #tpu.memory_space<hbm>> -> memref<10240x128xf32, #tpu.memory_space<hbm>>
      tpu.enqueue_indirect_dma source(%dma_start3A_37 : memref<10240x128xf32, #tpu.memory_space<hbm>>) target(%arg7 : memref<128x128xf32, #tpu.memory_space<vmem>>) offsets(%dma_start3A_34 : memref<128xi32, #tpu.memory_space<vmem>>) semaphore(%arg9 : memref<!tpu.dma_semaphore, #tpu.memory_space<semaphore_mem>>)
      %dma_wait3A = arith.constant 0 : i32
      %dma_wait3A_38 = arith.constant 0 : i32
      %dma_wait3A_39 = tpu.memref_slice %arg6[%dma_wait3A, %dma_wait3A_38] : memref<2x128xi32, #tpu.memory_space<vmem>> -> memref<1x128xi32, #tpu.memory_space<vmem>>
      %dma_wait3A_40 = tpu.memref_squeeze %dma_wait3A_39 : memref<1x128xi32, #tpu.memory_space<vmem>> -> memref<128xi32, #tpu.memory_space<vmem>>
      %dma_wait3A_41 = arith.constant 0 : i32
      %dma_wait3A_42 = arith.constant 0 : i32
      %dma_wait3A_43 = tpu.memref_slice %arg2[%dma_wait3A_41, %dma_wait3A_42] : memref<10240x128xf32, #tpu.memory_space<hbm>> -> memref<10240x128xf32, #tpu.memory_space<hbm>>
      tpu.wait_indirect_dma semaphore(%arg9 : memref<!tpu.dma_semaphore, #tpu.memory_space<semaphore_mem>>) src(%dma_wait3A_43 : memref<10240x128xf32, #tpu.memory_space<hbm>>) dst(%arg7 : memref<128x128xf32, #tpu.memory_space<vmem>>)
      %run_scoped3A = arith.constant 1 : i32
      "tpu.region"() ({
        %run_scoped3A_45 = tpu.sem_alloc : memref<!tpu.dma_semaphore, #tpu.memory_space<semaphore_mem>>
        %dma_start3A_46 = arith.constant 0 : i32
        %dma_start3A_47 = tpu.memref_slice %arg6[%run_scoped3A, %dma_start3A_46] : memref<2x128xi32, #tpu.memory_space<vmem>> -> memref<1x128xi32, #tpu.memory_space<vmem>>
        %dma_start3A_48 = tpu.memref_squeeze %dma_start3A_47 : memref<1x128xi32, #tpu.memory_space<vmem>> -> memref<128xi32, #tpu.memory_space<vmem>>
        %dma_start3A_49 = arith.constant 0 : i32
        %dma_start3A_50 = arith.constant 0 : i32
        %dma_start3A_51 = tpu.memref_slice %arg8[%dma_start3A_49, %dma_start3A_50] : memref<10240x128xf32, #tpu.memory_space<vmem_shared>> -> memref<10240x128xf32, #tpu.memory_space<vmem_shared>>
        tpu.enqueue_indirect_dma source(%arg7 : memref<128x128xf32, #tpu.memory_space<vmem>>) target(%dma_start3A_51 : memref<10240x128xf32, #tpu.memory_space<vmem_shared>>) offsets(%dma_start3A_48 : memref<128xi32, #tpu.memory_space<vmem>>) semaphore(%run_scoped3A_45 : memref<!tpu.dma_semaphore, #tpu.memory_space<semaphore_mem>>) {add = true}
        %dma_wait3A_52 = arith.constant 0 : i32
        %dma_wait3A_53 = tpu.memref_slice %arg6[%run_scoped3A, %dma_wait3A_52] : memref<2x128xi32, #tpu.memory_space<vmem>> -> memref<1x128xi32, #tpu.memory_space<vmem>>
        %dma_wait3A_54 = tpu.memref_squeeze %dma_wait3A_53 : memref<1x128xi32, #tpu.memory_space<vmem>> -> memref<128xi32, #tpu.memory_space<vmem>>
        %dma_wait3A_55 = arith.constant 0 : i32
        %dma_wait3A_56 = arith.constant 0 : i32
        %dma_wait3A_57 = tpu.memref_slice %arg8[%dma_wait3A_55, %dma_wait3A_56] : memref<10240x128xf32, #tpu.memory_space<vmem_shared>> -> memref<10240x128xf32, #tpu.memory_space<vmem_shared>>
        tpu.wait_indirect_dma semaphore(%run_scoped3A_45 : memref<!tpu.dma_semaphore, #tpu.memory_space<semaphore_mem>>) src(%arg7 : memref<128x128xf32, #tpu.memory_space<vmem>>) dst(%dma_wait3A_57 : memref<10240x128xf32, #tpu.memory_space<vmem_shared>>)
        tpu.yield
      }) : () -> ()
      %while3A_44 = arith.constant 0 : i32
      scf.yield %while3A_44 : i32
    }
    %barrier3A_21 = arith.constant 0 : index
    tpu.barrier barrier_id(%barrier3A_21)
    %scan3A_22 = arith.constant 0 : i32
    %scan3A_23 = arith.constant 0 : i32
    %scan3A_24 = arith.constant 5 : i32
    %scan3A_25 = arith.addi %scan3A_23, %scan3A_24 : i32
    %scan3A_26 = arith.constant 1 : i32
    %scan3A_27 = scf.for %scan3A_29 = %scan3A_23 to %scan3A_25 step %scan3A_26 iter_args(%scan3A_30 = %scan3A_22) -> (i32)  : i32 {
      %mul3A_31 = arith.constant 640 : i32
      %mul3A_32 = arith.muli %arg1, %mul3A_31 : i32
      %mul3A_33 = arith.constant 128 : i32
      %mul3A_34 = arith.muli %scan3A_29, %mul3A_33 : i32
      %add3A_35 = arith.addi %mul3A_32, %mul3A_34 : i32
      %mul3A_36 = arith.constant 10240 : i32
      %mul3A_37 = arith.muli %arg0, %mul3A_36 : i32
      %add3A_38 = arith.addi %mul3A_37, %add3A_35 : i32
      "tpu.region"() ({
        %run_scoped3A = tpu.sem_alloc : memref<!tpu.dma_semaphore, #tpu.memory_space<semaphore_mem>>
        %dma_start3A = arith.constant 0 : i32
        %dma_start3A_40 = tpu.memref_slice %arg5[%add3A_38, %dma_start3A] : memref<20480x128xf32, #tpu.memory_space<hbm>> -> memref<128x128xf32, #tpu.memory_space<hbm>>
        %dma_start3A_41 = arith.constant 0 : i32
        %dma_start3A_42 = tpu.memref_slice %arg8[%add3A_35, %dma_start3A_41] : memref<10240x128xf32, #tpu.memory_space<vmem_shared>> -> memref<128x128xf32, #tpu.memory_space<vmem_shared>>
        tpu.enqueue_dma source(%dma_start3A_42 : memref<128x128xf32, #tpu.memory_space<vmem_shared>>) target(%dma_start3A_40 : memref<128x128xf32, #tpu.memory_space<hbm>>) target_semaphore(%run_scoped3A : memref<!tpu.dma_semaphore, #tpu.memory_space<semaphore_mem>>)
        %dma_wait3A = arith.constant 0 : i32
        %dma_wait3A_43 = tpu.memref_slice %arg5[%add3A_38, %dma_wait3A] : memref<20480x128xf32, #tpu.memory_space<hbm>> -> memref<128x128xf32, #tpu.memory_space<hbm>>
        %dma_wait3A_44 = arith.constant 0 : i32
        %dma_wait3A_45 = tpu.memref_slice %arg8[%add3A_35, %dma_wait3A_44] : memref<10240x128xf32, #tpu.memory_space<vmem_shared>> -> memref<128x128xf32, #tpu.memory_space<vmem_shared>>
        tpu.wait_dma2 semaphore(%run_scoped3A : memref<!tpu.dma_semaphore, #tpu.memory_space<semaphore_mem>>) src(%dma_wait3A_45 : memref<128x128xf32, #tpu.memory_space<vmem_shared>>) dst(%dma_wait3A_43 : memref<128x128xf32, #tpu.memory_space<hbm>>)
        tpu.yield
      }) : () -> ()
      %scan3A_39 = arith.constant 0 : i32
      scf.yield %scan3A_39 : i32
    }
    %scan3A_28 = arith.constant 5 : i32
    return
  }
}

#map = affine_map<(d0, d1) -> (0, 0)>
#map1 = affine_map<(d0, d1) -> (0, 0, 0)>
module attributes {stable_mosaic.version = 14 : i64} {
  func.func @_seg_sum_body(%arg0: i32, %arg1: i32, %arg2: memref<10240x128xf32, #tpu.memory_space<hbm>>, %arg3: memref<2528x2x128xi32, #tpu.memory_space<hbm>>, %arg4: memref<128x128xf32, #tpu.memory_space<hbm>>, %arg5: memref<20480x128xf32, #tpu.memory_space<hbm>>, %arg6: memref<2x128xi32, #tpu.memory_space<vmem>>, %arg7: memref<128x128xf32, #tpu.memory_space<vmem>>, %arg8: memref<10240x128xf32, #tpu.memory_space<vmem_shared>>, %arg9: memref<!tpu.dma_semaphore, #tpu.memory_space<semaphore_mem>>) attributes {dimension_semantics = [#tpu.dimension_semantics<core_parallel>, #tpu.dimension_semantics<subcore_parallel>], iteration_bounds = array<i64: 2, 16>, scalar_prefetch = 0 : i64, scratch_operands = 4 : i64, tpu.core_type = #tpu.core_type<sc_vector_subcore>, window_params = [{transform_indices = #map}, {transform_indices = #map1}, {transform_indices = #map}, {transform_indices = #map}]} {
    %scan3A = arith.constant 0 : i32
    %scan3A_0 = arith.constant 0 : i32
    %scan3A_1 = arith.constant 5 : i32
    %scan3A_2 = arith.addi %scan3A_0, %scan3A_1 : i32
    %scan3A_3 = arith.constant 1 : i32
    %scan3A_4 = scf.for %scan3A_29 = %scan3A_0 to %scan3A_2 step %scan3A_3 iter_args(%scan3A_30 = %scan3A) -> (i32)  : i32 {
      %mul3A_31 = arith.constant 640 : i32
      %mul3A_32 = arith.muli %arg1, %mul3A_31 : i32
      %mul3A_33 = arith.constant 128 : i32
      %mul3A_34 = arith.muli %scan3A_29, %mul3A_33 : i32
      %add3A_35 = arith.addi %mul3A_32, %mul3A_34 : i32
      "tpu.region"() ({
        %run_scoped3A = tpu.sem_alloc : memref<!tpu.dma_semaphore, #tpu.memory_space<semaphore_mem>>
        %dma_start3A = arith.constant 0 : i32
        %dma_start3A_37 = tpu.memref_slice %arg8[%add3A_35, %dma_start3A] : memref<10240x128xf32, #tpu.memory_space<vmem_shared>> -> memref<128x128xf32, #tpu.memory_space<vmem_shared>>
        tpu.enqueue_dma source(%arg4 : memref<128x128xf32, #tpu.memory_space<hbm>>) target(%dma_start3A_37 : memref<128x128xf32, #tpu.memory_space<vmem_shared>>) target_semaphore(%run_scoped3A : memref<!tpu.dma_semaphore, #tpu.memory_space<semaphore_mem>>)
        %dma_wait3A = arith.constant 0 : i32
        %dma_wait3A_38 = tpu.memref_slice %arg8[%add3A_35, %dma_wait3A] : memref<10240x128xf32, #tpu.memory_space<vmem_shared>> -> memref<128x128xf32, #tpu.memory_space<vmem_shared>>
        tpu.wait_dma2 semaphore(%run_scoped3A : memref<!tpu.dma_semaphore, #tpu.memory_space<semaphore_mem>>) src(%arg4 : memref<128x128xf32, #tpu.memory_space<hbm>>) dst(%dma_wait3A_38 : memref<128x128xf32, #tpu.memory_space<vmem_shared>>)
        tpu.yield
      }) : () -> ()
      %scan3A_36 = arith.constant 0 : i32
      scf.yield %scan3A_36 : i32
    }
    %scan3A_5 = arith.constant 5 : i32
    %barrier3A = arith.constant 0 : index
    tpu.barrier barrier_id(%barrier3A)
    %eq3A = arith.constant 0 : i32
    %eq3A_6 = arith.cmpi eq, %arg0, %eq3A : i32
    %jit3A = arith.constant 95 : i32
    %jit3A_7 = arith.constant 63 : i32
    %select_n3A = arith.select %eq3A_6, %jit3A, %jit3A_7 : i32
    %mul3A = arith.constant 1520 : i32
    %mul3A_8 = arith.muli %arg0, %mul3A : i32
    %mul3A_9 = arith.muli %arg1, %select_n3A : i32
    %add3A = arith.addi %mul3A_8, %mul3A_9 : i32
    %while3A = arith.constant 0 : i32
    %while3A_10 = arith.constant 0 : i32
    %while3A_11 = arith.subi %select_n3A, %while3A : i32
    %while3A_12 = arith.addi %while3A, %while3A_11 : i32
    %while3A_13 = arith.constant 1 : i32
    %while3A_14 = arith.divsi %while3A_11, %while3A_13 : i32
    %while3A_15 = arith.muli %while3A_14, %while3A_13 : i32
    %while3A_16 = arith.addi %while3A, %while3A_15 : i32
    %while3A_17 = arith.constant 1 : i32
    %while3A_18 = scf.for %while3A_29 = %while3A to %while3A_16 step %while3A_17 iter_args(%while3A_30 = %while3A_10) -> (i32)  : i32 {
      %add3A_31 = arith.addi %add3A, %while3A_29 : i32
      "tpu.region"() ({
        %run_scoped3A_45 = tpu.sem_alloc : memref<!tpu.dma_semaphore, #tpu.memory_space<semaphore_mem>>
        %dma_start3A_46 = arith.constant 0 : i32
        %dma_start3A_47 = arith.constant 0 : i32
        %dma_start3A_48 = tpu.memref_slice %arg3[%add3A_31, %dma_start3A_46, %dma_start3A_47] : memref<2528x2x128xi32, #tpu.memory_space<hbm>> -> memref<1x2x128xi32, #tpu.memory_space<hbm>>
        %dma_start3A_49 = tpu.memref_squeeze %dma_start3A_48 : memref<1x2x128xi32, #tpu.memory_space<hbm>> -> memref<2x128xi32, #tpu.memory_space<hbm>>
        %dma_start3A_50 = arith.constant 0 : i32
        %dma_start3A_51 = arith.constant 0 : i32
        %dma_start3A_52 = tpu.memref_slice %arg3[%add3A_31, %dma_start3A_50, %dma_start3A_51] : memref<2528x2x128xi32, #tpu.memory_space<hbm>> -> memref<1x2x128xi32, #tpu.memory_space<hbm>>
        %dma_start3A_53 = tpu.memref_squeeze %dma_start3A_52 : memref<1x2x128xi32, #tpu.memory_space<hbm>> -> memref<2x128xi32, #tpu.memory_space<hbm>>
        tpu.enqueue_dma source(%dma_start3A_53 : memref<2x128xi32, #tpu.memory_space<hbm>>) target(%arg6 : memref<2x128xi32, #tpu.memory_space<vmem>>) target_semaphore(%run_scoped3A_45 : memref<!tpu.dma_semaphore, #tpu.memory_space<semaphore_mem>>)
        %dma_wait3A_54 = arith.constant 0 : i32
        %dma_wait3A_55 = arith.constant 0 : i32
        %dma_wait3A_56 = tpu.memref_slice %arg3[%add3A_31, %dma_wait3A_54, %dma_wait3A_55] : memref<2528x2x128xi32, #tpu.memory_space<hbm>> -> memref<1x2x128xi32, #tpu.memory_space<hbm>>
        %dma_wait3A_57 = tpu.memref_squeeze %dma_wait3A_56 : memref<1x2x128xi32, #tpu.memory_space<hbm>> -> memref<2x128xi32, #tpu.memory_space<hbm>>
        %dma_wait3A_58 = arith.constant 0 : i32
        %dma_wait3A_59 = arith.constant 0 : i32
        %dma_wait3A_60 = tpu.memref_slice %arg3[%add3A_31, %dma_wait3A_58, %dma_wait3A_59] : memref<2528x2x128xi32, #tpu.memory_space<hbm>> -> memref<1x2x128xi32, #tpu.memory_space<hbm>>
        %dma_wait3A_61 = tpu.memref_squeeze %dma_wait3A_60 : memref<1x2x128xi32, #tpu.memory_space<hbm>> -> memref<2x128xi32, #tpu.memory_space<hbm>>
        tpu.wait_dma2 semaphore(%run_scoped3A_45 : memref<!tpu.dma_semaphore, #tpu.memory_space<semaphore_mem>>) src(%dma_wait3A_61 : memref<2x128xi32, #tpu.memory_space<hbm>>) dst(%arg6 : memref<2x128xi32, #tpu.memory_space<vmem>>)
        tpu.yield
      }) : () -> ()
      %dma_start3A = arith.constant 0 : i32
      %dma_start3A_32 = arith.constant 0 : i32
      %dma_start3A_33 = tpu.memref_slice %arg6[%dma_start3A, %dma_start3A_32] : memref<2x128xi32, #tpu.memory_space<vmem>> -> memref<1x128xi32, #tpu.memory_space<vmem>>
      %dma_start3A_34 = tpu.memref_squeeze %dma_start3A_33 : memref<1x128xi32, #tpu.memory_space<vmem>> -> memref<128xi32, #tpu.memory_space<vmem>>
      %dma_start3A_35 = arith.constant 0 : i32
      %dma_start3A_36 = arith.constant 0 : i32
      %dma_start3A_37 = tpu.memref_slice %arg2[%dma_start3A_35, %dma_start3A_36] : memref<10240x128xf32, #tpu.memory_space<hbm>> -> memref<10240x128xf32, #tpu.memory_space<hbm>>
      tpu.enqueue_indirect_dma source(%dma_start3A_37 : memref<10240x128xf32, #tpu.memory_space<hbm>>) target(%arg7 : memref<128x128xf32, #tpu.memory_space<vmem>>) offsets(%dma_start3A_34 : memref<128xi32, #tpu.memory_space<vmem>>) semaphore(%arg9 : memref<!tpu.dma_semaphore, #tpu.memory_space<semaphore_mem>>)
      %dma_wait3A = arith.constant 0 : i32
      %dma_wait3A_38 = arith.constant 0 : i32
      %dma_wait3A_39 = tpu.memref_slice %arg6[%dma_wait3A, %dma_wait3A_38] : memref<2x128xi32, #tpu.memory_space<vmem>> -> memref<1x128xi32, #tpu.memory_space<vmem>>
      %dma_wait3A_40 = tpu.memref_squeeze %dma_wait3A_39 : memref<1x128xi32, #tpu.memory_space<vmem>> -> memref<128xi32, #tpu.memory_space<vmem>>
      %dma_wait3A_41 = arith.constant 0 : i32
      %dma_wait3A_42 = arith.constant 0 : i32
      %dma_wait3A_43 = tpu.memref_slice %arg2[%dma_wait3A_41, %dma_wait3A_42] : memref<10240x128xf32, #tpu.memory_space<hbm>> -> memref<10240x128xf32, #tpu.memory_space<hbm>>
      tpu.wait_indirect_dma semaphore(%arg9 : memref<!tpu.dma_semaphore, #tpu.memory_space<semaphore_mem>>) src(%dma_wait3A_43 : memref<10240x128xf32, #tpu.memory_space<hbm>>) dst(%arg7 : memref<128x128xf32, #tpu.memory_space<vmem>>)
      %run_scoped3A = arith.constant 1 : i32
      "tpu.region"() ({
        %run_scoped3A_45 = tpu.sem_alloc : memref<!tpu.dma_semaphore, #tpu.memory_space<semaphore_mem>>
        %dma_start3A_46 = arith.constant 0 : i32
        %dma_start3A_47 = tpu.memref_slice %arg6[%run_scoped3A, %dma_start3A_46] : memref<2x128xi32, #tpu.memory_space<vmem>> -> memref<1x128xi32, #tpu.memory_space<vmem>>
        %dma_start3A_48 = tpu.memref_squeeze %dma_start3A_47 : memref<1x128xi32, #tpu.memory_space<vmem>> -> memref<128xi32, #tpu.memory_space<vmem>>
        %dma_start3A_49 = arith.constant 0 : i32
        %dma_start3A_50 = arith.constant 0 : i32
        %dma_start3A_51 = tpu.memref_slice %arg8[%dma_start3A_49, %dma_start3A_50] : memref<10240x128xf32, #tpu.memory_space<vmem_shared>> -> memref<10240x128xf32, #tpu.memory_space<vmem_shared>>
        tpu.enqueue_indirect_dma source(%arg7 : memref<128x128xf32, #tpu.memory_space<vmem>>) target(%dma_start3A_51 : memref<10240x128xf32, #tpu.memory_space<vmem_shared>>) offsets(%dma_start3A_48 : memref<128xi32, #tpu.memory_space<vmem>>) semaphore(%run_scoped3A_45 : memref<!tpu.dma_semaphore, #tpu.memory_space<semaphore_mem>>) {add = true}
        %dma_wait3A_52 = arith.constant 0 : i32
        %dma_wait3A_53 = tpu.memref_slice %arg6[%run_scoped3A, %dma_wait3A_52] : memref<2x128xi32, #tpu.memory_space<vmem>> -> memref<1x128xi32, #tpu.memory_space<vmem>>
        %dma_wait3A_54 = tpu.memref_squeeze %dma_wait3A_53 : memref<1x128xi32, #tpu.memory_space<vmem>> -> memref<128xi32, #tpu.memory_space<vmem>>
        %dma_wait3A_55 = arith.constant 0 : i32
        %dma_wait3A_56 = arith.constant 0 : i32
        %dma_wait3A_57 = tpu.memref_slice %arg8[%dma_wait3A_55, %dma_wait3A_56] : memref<10240x128xf32, #tpu.memory_space<vmem_shared>> -> memref<10240x128xf32, #tpu.memory_space<vmem_shared>>
        tpu.wait_indirect_dma semaphore(%run_scoped3A_45 : memref<!tpu.dma_semaphore, #tpu.memory_space<semaphore_mem>>) src(%arg7 : memref<128x128xf32, #tpu.memory_space<vmem>>) dst(%dma_wait3A_57 : memref<10240x128xf32, #tpu.memory_space<vmem_shared>>)
        tpu.yield
      }) : () -> ()
      %while3A_44 = arith.constant 0 : i32
      scf.yield %while3A_44 : i32
    }
    %while3A_19 = arith.constant 1 : i32
    %while3A_20 = scf.for %while3A_29 = %while3A_16 to %while3A_12 step %while3A_19 iter_args(%while3A_30 = %while3A_18) -> (i32)  : i32 {
      %add3A_31 = arith.addi %add3A, %while3A_29 : i32
      "tpu.region"() ({
        %run_scoped3A_45 = tpu.sem_alloc : memref<!tpu.dma_semaphore, #tpu.memory_space<semaphore_mem>>
        %dma_start3A_46 = arith.constant 0 : i32
        %dma_start3A_47 = arith.constant 0 : i32
        %dma_start3A_48 = tpu.memref_slice %arg3[%add3A_31, %dma_start3A_46, %dma_start3A_47] : memref<2528x2x128xi32, #tpu.memory_space<hbm>> -> memref<1x2x128xi32, #tpu.memory_space<hbm>>
        %dma_start3A_49 = tpu.memref_squeeze %dma_start3A_48 : memref<1x2x128xi32, #tpu.memory_space<hbm>> -> memref<2x128xi32, #tpu.memory_space<hbm>>
        %dma_start3A_50 = arith.constant 0 : i32
        %dma_start3A_51 = arith.constant 0 : i32
        %dma_start3A_52 = tpu.memref_slice %arg3[%add3A_31, %dma_start3A_50, %dma_start3A_51] : memref<2528x2x128xi32, #tpu.memory_space<hbm>> -> memref<1x2x128xi32, #tpu.memory_space<hbm>>
        %dma_start3A_53 = tpu.memref_squeeze %dma_start3A_52 : memref<1x2x128xi32, #tpu.memory_space<hbm>> -> memref<2x128xi32, #tpu.memory_space<hbm>>
        tpu.enqueue_dma source(%dma_start3A_53 : memref<2x128xi32, #tpu.memory_space<hbm>>) target(%arg6 : memref<2x128xi32, #tpu.memory_space<vmem>>) target_semaphore(%run_scoped3A_45 : memref<!tpu.dma_semaphore, #tpu.memory_space<semaphore_mem>>)
        %dma_wait3A_54 = arith.constant 0 : i32
        %dma_wait3A_55 = arith.constant 0 : i32
        %dma_wait3A_56 = tpu.memref_slice %arg3[%add3A_31, %dma_wait3A_54, %dma_wait3A_55] : memref<2528x2x128xi32, #tpu.memory_space<hbm>> -> memref<1x2x128xi32, #tpu.memory_space<hbm>>
        %dma_wait3A_57 = tpu.memref_squeeze %dma_wait3A_56 : memref<1x2x128xi32, #tpu.memory_space<hbm>> -> memref<2x128xi32, #tpu.memory_space<hbm>>
        %dma_wait3A_58 = arith.constant 0 : i32
        %dma_wait3A_59 = arith.constant 0 : i32
        %dma_wait3A_60 = tpu.memref_slice %arg3[%add3A_31, %dma_wait3A_58, %dma_wait3A_59] : memref<2528x2x128xi32, #tpu.memory_space<hbm>> -> memref<1x2x128xi32, #tpu.memory_space<hbm>>
        %dma_wait3A_61 = tpu.memref_squeeze %dma_wait3A_60 : memref<1x2x128xi32, #tpu.memory_space<hbm>> -> memref<2x128xi32, #tpu.memory_space<hbm>>
        tpu.wait_dma2 semaphore(%run_scoped3A_45 : memref<!tpu.dma_semaphore, #tpu.memory_space<semaphore_mem>>) src(%dma_wait3A_61 : memref<2x128xi32, #tpu.memory_space<hbm>>) dst(%arg6 : memref<2x128xi32, #tpu.memory_space<vmem>>)
        tpu.yield
      }) : () -> ()
      %dma_start3A = arith.constant 0 : i32
      %dma_start3A_32 = arith.constant 0 : i32
      %dma_start3A_33 = tpu.memref_slice %arg6[%dma_start3A, %dma_start3A_32] : memref<2x128xi32, #tpu.memory_space<vmem>> -> memref<1x128xi32, #tpu.memory_space<vmem>>
      %dma_start3A_34 = tpu.memref_squeeze %dma_start3A_33 : memref<1x128xi32, #tpu.memory_space<vmem>> -> memref<128xi32, #tpu.memory_space<vmem>>
      %dma_start3A_35 = arith.constant 0 : i32
      %dma_start3A_36 = arith.constant 0 : i32
      %dma_start3A_37 = tpu.memref_slice %arg2[%dma_start3A_35, %dma_start3A_36] : memref<10240x128xf32, #tpu.memory_space<hbm>> -> memref<10240x128xf32, #tpu.memory_space<hbm>>
      tpu.enqueue_indirect_dma source(%dma_start3A_37 : memref<10240x128xf32, #tpu.memory_space<hbm>>) target(%arg7 : memref<128x128xf32, #tpu.memory_space<vmem>>) offsets(%dma_start3A_34 : memref<128xi32, #tpu.memory_space<vmem>>) semaphore(%arg9 : memref<!tpu.dma_semaphore, #tpu.memory_space<semaphore_mem>>)
      %dma_wait3A = arith.constant 0 : i32
      %dma_wait3A_38 = arith.constant 0 : i32
      %dma_wait3A_39 = tpu.memref_slice %arg6[%dma_wait3A, %dma_wait3A_38] : memref<2x128xi32, #tpu.memory_space<vmem>> -> memref<1x128xi32, #tpu.memory_space<vmem>>
      %dma_wait3A_40 = tpu.memref_squeeze %dma_wait3A_39 : memref<1x128xi32, #tpu.memory_space<vmem>> -> memref<128xi32, #tpu.memory_space<vmem>>
      %dma_wait3A_41 = arith.constant 0 : i32
      %dma_wait3A_42 = arith.constant 0 : i32
      %dma_wait3A_43 = tpu.memref_slice %arg2[%dma_wait3A_41, %dma_wait3A_42] : memref<10240x128xf32, #tpu.memory_space<hbm>> -> memref<10240x128xf32, #tpu.memory_space<hbm>>
      tpu.wait_indirect_dma semaphore(%arg9 : memref<!tpu.dma_semaphore, #tpu.memory_space<semaphore_mem>>) src(%dma_wait3A_43 : memref<10240x128xf32, #tpu.memory_space<hbm>>) dst(%arg7 : memref<128x128xf32, #tpu.memory_space<vmem>>)
      %run_scoped3A = arith.constant 1 : i32
      "tpu.region"() ({
        %run_scoped3A_45 = tpu.sem_alloc : memref<!tpu.dma_semaphore, #tpu.memory_space<semaphore_mem>>
        %dma_start3A_46 = arith.constant 0 : i32
        %dma_start3A_47 = tpu.memref_slice %arg6[%run_scoped3A, %dma_start3A_46] : memref<2x128xi32, #tpu.memory_space<vmem>> -> memref<1x128xi32, #tpu.memory_space<vmem>>
        %dma_start3A_48 = tpu.memref_squeeze %dma_start3A_47 : memref<1x128xi32, #tpu.memory_space<vmem>> -> memref<128xi32, #tpu.memory_space<vmem>>
        %dma_start3A_49 = arith.constant 0 : i32
        %dma_start3A_50 = arith.constant 0 : i32
        %dma_start3A_51 = tpu.memref_slice %arg8[%dma_start3A_49, %dma_start3A_50] : memref<10240x128xf32, #tpu.memory_space<vmem_shared>> -> memref<10240x128xf32, #tpu.memory_space<vmem_shared>>
        tpu.enqueue_indirect_dma source(%arg7 : memref<128x128xf32, #tpu.memory_space<vmem>>) target(%dma_start3A_51 : memref<10240x128xf32, #tpu.memory_space<vmem_shared>>) offsets(%dma_start3A_48 : memref<128xi32, #tpu.memory_space<vmem>>) semaphore(%run_scoped3A_45 : memref<!tpu.dma_semaphore, #tpu.memory_space<semaphore_mem>>) {add = true}
        %dma_wait3A_52 = arith.constant 0 : i32
        %dma_wait3A_53 = tpu.memref_slice %arg6[%run_scoped3A, %dma_wait3A_52] : memref<2x128xi32, #tpu.memory_space<vmem>> -> memref<1x128xi32, #tpu.memory_space<vmem>>
        %dma_wait3A_54 = tpu.memref_squeeze %dma_wait3A_53 : memref<1x128xi32, #tpu.memory_space<vmem>> -> memref<128xi32, #tpu.memory_space<vmem>>
        %dma_wait3A_55 = arith.constant 0 : i32
        %dma_wait3A_56 = arith.constant 0 : i32
        %dma_wait3A_57 = tpu.memref_slice %arg8[%dma_wait3A_55, %dma_wait3A_56] : memref<10240x128xf32, #tpu.memory_space<vmem_shared>> -> memref<10240x128xf32, #tpu.memory_space<vmem_shared>>
        tpu.wait_indirect_dma semaphore(%run_scoped3A_45 : memref<!tpu.dma_semaphore, #tpu.memory_space<semaphore_mem>>) src(%arg7 : memref<128x128xf32, #tpu.memory_space<vmem>>) dst(%dma_wait3A_57 : memref<10240x128xf32, #tpu.memory_space<vmem_shared>>)
        tpu.yield
      }) : () -> ()
      %while3A_44 = arith.constant 0 : i32
      scf.yield %while3A_44 : i32
    }
    %barrier3A_21 = arith.constant 0 : index
    tpu.barrier barrier_id(%barrier3A_21)
    %scan3A_22 = arith.constant 0 : i32
    %scan3A_23 = arith.constant 0 : i32
    %scan3A_24 = arith.constant 5 : i32
    %scan3A_25 = arith.addi %scan3A_23, %scan3A_24 : i32
    %scan3A_26 = arith.constant 1 : i32
    %scan3A_27 = scf.for %scan3A_29 = %scan3A_23 to %scan3A_25 step %scan3A_26 iter_args(%scan3A_30 = %scan3A_22) -> (i32)  : i32 {
      %mul3A_31 = arith.constant 640 : i32
      %mul3A_32 = arith.muli %arg1, %mul3A_31 : i32
      %mul3A_33 = arith.constant 128 : i32
      %mul3A_34 = arith.muli %scan3A_29, %mul3A_33 : i32
      %add3A_35 = arith.addi %mul3A_32, %mul3A_34 : i32
      %mul3A_36 = arith.constant 10240 : i32
      %mul3A_37 = arith.muli %arg0, %mul3A_36 : i32
      %add3A_38 = arith.addi %mul3A_37, %add3A_35 : i32
      "tpu.region"() ({
        %run_scoped3A = tpu.sem_alloc : memref<!tpu.dma_semaphore, #tpu.memory_space<semaphore_mem>>
        %dma_start3A = arith.constant 0 : i32
        %dma_start3A_40 = tpu.memref_slice %arg5[%add3A_38, %dma_start3A] : memref<20480x128xf32, #tpu.memory_space<hbm>> -> memref<128x128xf32, #tpu.memory_space<hbm>>
        %dma_start3A_41 = arith.constant 0 : i32
        %dma_start3A_42 = tpu.memref_slice %arg8[%add3A_35, %dma_start3A_41] : memref<10240x128xf32, #tpu.memory_space<vmem_shared>> -> memref<128x128xf32, #tpu.memory_space<vmem_shared>>
        tpu.enqueue_dma source(%dma_start3A_42 : memref<128x128xf32, #tpu.memory_space<vmem_shared>>) target(%dma_start3A_40 : memref<128x128xf32, #tpu.memory_space<hbm>>) target_semaphore(%run_scoped3A : memref<!tpu.dma_semaphore, #tpu.memory_space<semaphore_mem>>)
        %dma_wait3A = arith.constant 0 : i32
        %dma_wait3A_43 = tpu.memref_slice %arg5[%add3A_38, %dma_wait3A] : memref<20480x128xf32, #tpu.memory_space<hbm>> -> memref<128x128xf32, #tpu.memory_space<hbm>>
        %dma_wait3A_44 = arith.constant 0 : i32
        %dma_wait3A_45 = tpu.memref_slice %arg8[%add3A_35, %dma_wait3A_44] : memref<10240x128xf32, #tpu.memory_space<vmem_shared>> -> memref<128x128xf32, #tpu.memory_space<vmem_shared>>
        tpu.wait_dma2 semaphore(%run_scoped3A : memref<!tpu.dma_semaphore, #tpu.memory_space<semaphore_mem>>) src(%dma_wait3A_45 : memref<128x128xf32, #tpu.memory_space<vmem_shared>>) dst(%dma_wait3A_43 : memref<128x128xf32, #tpu.memory_space<hbm>>)
        tpu.yield
      }) : () -> ()
      %scan3A_39 = arith.constant 0 : i32
      scf.yield %scan3A_39 : i32
    }
    %scan3A_28 = arith.constant 5 : i32
    return
  }
}

#map = affine_map<(d0, d1) -> (0, 0)>
#map1 = affine_map<(d0, d1) -> (0, 0, 0)>
module attributes {stable_mosaic.version = 14 : i64} {
  func.func @_seg_sum_body(%arg0: i32, %arg1: i32, %arg2: memref<10240x128xf32, #tpu.memory_space<hbm>>, %arg3: memref<2528x2x128xi32, #tpu.memory_space<hbm>>, %arg4: memref<128x128xf32, #tpu.memory_space<hbm>>, %arg5: memref<20480x128xf32, #tpu.memory_space<hbm>>, %arg6: memref<2x128xi32, #tpu.memory_space<vmem>>, %arg7: memref<128x128xf32, #tpu.memory_space<vmem>>, %arg8: memref<10240x128xf32, #tpu.memory_space<vmem_shared>>, %arg9: memref<!tpu.dma_semaphore, #tpu.memory_space<semaphore_mem>>) attributes {dimension_semantics = [#tpu.dimension_semantics<core_parallel>, #tpu.dimension_semantics<subcore_parallel>], iteration_bounds = array<i64: 2, 16>, scalar_prefetch = 0 : i64, scratch_operands = 4 : i64, tpu.core_type = #tpu.core_type<sc_vector_subcore>, window_params = [{transform_indices = #map}, {transform_indices = #map1}, {transform_indices = #map}, {transform_indices = #map}]} {
    %scan3A = arith.constant 0 : i32
    %scan3A_0 = arith.constant 0 : i32
    %scan3A_1 = arith.constant 5 : i32
    %scan3A_2 = arith.addi %scan3A_0, %scan3A_1 : i32
    %scan3A_3 = arith.constant 1 : i32
    %scan3A_4 = scf.for %scan3A_29 = %scan3A_0 to %scan3A_2 step %scan3A_3 iter_args(%scan3A_30 = %scan3A) -> (i32)  : i32 {
      %mul3A_31 = arith.constant 640 : i32
      %mul3A_32 = arith.muli %arg1, %mul3A_31 : i32
      %mul3A_33 = arith.constant 128 : i32
      %mul3A_34 = arith.muli %scan3A_29, %mul3A_33 : i32
      %add3A_35 = arith.addi %mul3A_32, %mul3A_34 : i32
      "tpu.region"() ({
        %run_scoped3A = tpu.sem_alloc : memref<!tpu.dma_semaphore, #tpu.memory_space<semaphore_mem>>
        %dma_start3A = arith.constant 0 : i32
        %dma_start3A_37 = tpu.memref_slice %arg8[%add3A_35, %dma_start3A] : memref<10240x128xf32, #tpu.memory_space<vmem_shared>> -> memref<128x128xf32, #tpu.memory_space<vmem_shared>>
        tpu.enqueue_dma source(%arg4 : memref<128x128xf32, #tpu.memory_space<hbm>>) target(%dma_start3A_37 : memref<128x128xf32, #tpu.memory_space<vmem_shared>>) target_semaphore(%run_scoped3A : memref<!tpu.dma_semaphore, #tpu.memory_space<semaphore_mem>>)
        %dma_wait3A = arith.constant 0 : i32
        %dma_wait3A_38 = tpu.memref_slice %arg8[%add3A_35, %dma_wait3A] : memref<10240x128xf32, #tpu.memory_space<vmem_shared>> -> memref<128x128xf32, #tpu.memory_space<vmem_shared>>
        tpu.wait_dma2 semaphore(%run_scoped3A : memref<!tpu.dma_semaphore, #tpu.memory_space<semaphore_mem>>) src(%arg4 : memref<128x128xf32, #tpu.memory_space<hbm>>) dst(%dma_wait3A_38 : memref<128x128xf32, #tpu.memory_space<vmem_shared>>)
        tpu.yield
      }) : () -> ()
      %scan3A_36 = arith.constant 0 : i32
      scf.yield %scan3A_36 : i32
    }
    %scan3A_5 = arith.constant 5 : i32
    %barrier3A = arith.constant 0 : index
    tpu.barrier barrier_id(%barrier3A)
    %eq3A = arith.constant 0 : i32
    %eq3A_6 = arith.cmpi eq, %arg0, %eq3A : i32
    %jit3A = arith.constant 95 : i32
    %jit3A_7 = arith.constant 63 : i32
    %select_n3A = arith.select %eq3A_6, %jit3A, %jit3A_7 : i32
    %mul3A = arith.constant 1520 : i32
    %mul3A_8 = arith.muli %arg0, %mul3A : i32
    %mul3A_9 = arith.muli %arg1, %select_n3A : i32
    %add3A = arith.addi %mul3A_8, %mul3A_9 : i32
    %while3A = arith.constant 0 : i32
    %while3A_10 = arith.constant 0 : i32
    %while3A_11 = arith.subi %select_n3A, %while3A : i32
    %while3A_12 = arith.addi %while3A, %while3A_11 : i32
    %while3A_13 = arith.constant 1 : i32
    %while3A_14 = arith.divsi %while3A_11, %while3A_13 : i32
    %while3A_15 = arith.muli %while3A_14, %while3A_13 : i32
    %while3A_16 = arith.addi %while3A, %while3A_15 : i32
    %while3A_17 = arith.constant 1 : i32
    %while3A_18 = scf.for %while3A_29 = %while3A to %while3A_16 step %while3A_17 iter_args(%while3A_30 = %while3A_10) -> (i32)  : i32 {
      %add3A_31 = arith.addi %add3A, %while3A_29 : i32
      "tpu.region"() ({
        %run_scoped3A_45 = tpu.sem_alloc : memref<!tpu.dma_semaphore, #tpu.memory_space<semaphore_mem>>
        %dma_start3A_46 = arith.constant 0 : i32
        %dma_start3A_47 = arith.constant 0 : i32
        %dma_start3A_48 = tpu.memref_slice %arg3[%add3A_31, %dma_start3A_46, %dma_start3A_47] : memref<2528x2x128xi32, #tpu.memory_space<hbm>> -> memref<1x2x128xi32, #tpu.memory_space<hbm>>
        %dma_start3A_49 = tpu.memref_squeeze %dma_start3A_48 : memref<1x2x128xi32, #tpu.memory_space<hbm>> -> memref<2x128xi32, #tpu.memory_space<hbm>>
        %dma_start3A_50 = arith.constant 0 : i32
        %dma_start3A_51 = arith.constant 0 : i32
        %dma_start3A_52 = tpu.memref_slice %arg3[%add3A_31, %dma_start3A_50, %dma_start3A_51] : memref<2528x2x128xi32, #tpu.memory_space<hbm>> -> memref<1x2x128xi32, #tpu.memory_space<hbm>>
        %dma_start3A_53 = tpu.memref_squeeze %dma_start3A_52 : memref<1x2x128xi32, #tpu.memory_space<hbm>> -> memref<2x128xi32, #tpu.memory_space<hbm>>
        tpu.enqueue_dma source(%dma_start3A_53 : memref<2x128xi32, #tpu.memory_space<hbm>>) target(%arg6 : memref<2x128xi32, #tpu.memory_space<vmem>>) target_semaphore(%run_scoped3A_45 : memref<!tpu.dma_semaphore, #tpu.memory_space<semaphore_mem>>)
        %dma_wait3A_54 = arith.constant 0 : i32
        %dma_wait3A_55 = arith.constant 0 : i32
        %dma_wait3A_56 = tpu.memref_slice %arg3[%add3A_31, %dma_wait3A_54, %dma_wait3A_55] : memref<2528x2x128xi32, #tpu.memory_space<hbm>> -> memref<1x2x128xi32, #tpu.memory_space<hbm>>
        %dma_wait3A_57 = tpu.memref_squeeze %dma_wait3A_56 : memref<1x2x128xi32, #tpu.memory_space<hbm>> -> memref<2x128xi32, #tpu.memory_space<hbm>>
        %dma_wait3A_58 = arith.constant 0 : i32
        %dma_wait3A_59 = arith.constant 0 : i32
        %dma_wait3A_60 = tpu.memref_slice %arg3[%add3A_31, %dma_wait3A_58, %dma_wait3A_59] : memref<2528x2x128xi32, #tpu.memory_space<hbm>> -> memref<1x2x128xi32, #tpu.memory_space<hbm>>
        %dma_wait3A_61 = tpu.memref_squeeze %dma_wait3A_60 : memref<1x2x128xi32, #tpu.memory_space<hbm>> -> memref<2x128xi32, #tpu.memory_space<hbm>>
        tpu.wait_dma2 semaphore(%run_scoped3A_45 : memref<!tpu.dma_semaphore, #tpu.memory_space<semaphore_mem>>) src(%dma_wait3A_61 : memref<2x128xi32, #tpu.memory_space<hbm>>) dst(%arg6 : memref<2x128xi32, #tpu.memory_space<vmem>>)
        tpu.yield
      }) : () -> ()
      %dma_start3A = arith.constant 0 : i32
      %dma_start3A_32 = arith.constant 0 : i32
      %dma_start3A_33 = tpu.memref_slice %arg6[%dma_start3A, %dma_start3A_32] : memref<2x128xi32, #tpu.memory_space<vmem>> -> memref<1x128xi32, #tpu.memory_space<vmem>>
      %dma_start3A_34 = tpu.memref_squeeze %dma_start3A_33 : memref<1x128xi32, #tpu.memory_space<vmem>> -> memref<128xi32, #tpu.memory_space<vmem>>
      %dma_start3A_35 = arith.constant 0 : i32
      %dma_start3A_36 = arith.constant 0 : i32
      %dma_start3A_37 = tpu.memref_slice %arg2[%dma_start3A_35, %dma_start3A_36] : memref<10240x128xf32, #tpu.memory_space<hbm>> -> memref<10240x128xf32, #tpu.memory_space<hbm>>
      tpu.enqueue_indirect_dma source(%dma_start3A_37 : memref<10240x128xf32, #tpu.memory_space<hbm>>) target(%arg7 : memref<128x128xf32, #tpu.memory_space<vmem>>) offsets(%dma_start3A_34 : memref<128xi32, #tpu.memory_space<vmem>>) semaphore(%arg9 : memref<!tpu.dma_semaphore, #tpu.memory_space<semaphore_mem>>)
      %dma_wait3A = arith.constant 0 : i32
      %dma_wait3A_38 = arith.constant 0 : i32
      %dma_wait3A_39 = tpu.memref_slice %arg6[%dma_wait3A, %dma_wait3A_38] : memref<2x128xi32, #tpu.memory_space<vmem>> -> memref<1x128xi32, #tpu.memory_space<vmem>>
      %dma_wait3A_40 = tpu.memref_squeeze %dma_wait3A_39 : memref<1x128xi32, #tpu.memory_space<vmem>> -> memref<128xi32, #tpu.memory_space<vmem>>
      %dma_wait3A_41 = arith.constant 0 : i32
      %dma_wait3A_42 = arith.constant 0 : i32
      %dma_wait3A_43 = tpu.memref_slice %arg2[%dma_wait3A_41, %dma_wait3A_42] : memref<10240x128xf32, #tpu.memory_space<hbm>> -> memref<10240x128xf32, #tpu.memory_space<hbm>>
      tpu.wait_indirect_dma semaphore(%arg9 : memref<!tpu.dma_semaphore, #tpu.memory_space<semaphore_mem>>) src(%dma_wait3A_43 : memref<10240x128xf32, #tpu.memory_space<hbm>>) dst(%arg7 : memref<128x128xf32, #tpu.memory_space<vmem>>)
      %run_scoped3A = arith.constant 1 : i32
      "tpu.region"() ({
        %run_scoped3A_45 = tpu.sem_alloc : memref<!tpu.dma_semaphore, #tpu.memory_space<semaphore_mem>>
        %dma_start3A_46 = arith.constant 0 : i32
        %dma_start3A_47 = tpu.memref_slice %arg6[%run_scoped3A, %dma_start3A_46] : memref<2x128xi32, #tpu.memory_space<vmem>> -> memref<1x128xi32, #tpu.memory_space<vmem>>
        %dma_start3A_48 = tpu.memref_squeeze %dma_start3A_47 : memref<1x128xi32, #tpu.memory_space<vmem>> -> memref<128xi32, #tpu.memory_space<vmem>>
        %dma_start3A_49 = arith.constant 0 : i32
        %dma_start3A_50 = arith.constant 0 : i32
        %dma_start3A_51 = tpu.memref_slice %arg8[%dma_start3A_49, %dma_start3A_50] : memref<10240x128xf32, #tpu.memory_space<vmem_shared>> -> memref<10240x128xf32, #tpu.memory_space<vmem_shared>>
        tpu.enqueue_indirect_dma source(%arg7 : memref<128x128xf32, #tpu.memory_space<vmem>>) target(%dma_start3A_51 : memref<10240x128xf32, #tpu.memory_space<vmem_shared>>) offsets(%dma_start3A_48 : memref<128xi32, #tpu.memory_space<vmem>>) semaphore(%run_scoped3A_45 : memref<!tpu.dma_semaphore, #tpu.memory_space<semaphore_mem>>) {add = true}
        %dma_wait3A_52 = arith.constant 0 : i32
        %dma_wait3A_53 = tpu.memref_slice %arg6[%run_scoped3A, %dma_wait3A_52] : memref<2x128xi32, #tpu.memory_space<vmem>> -> memref<1x128xi32, #tpu.memory_space<vmem>>
        %dma_wait3A_54 = tpu.memref_squeeze %dma_wait3A_53 : memref<1x128xi32, #tpu.memory_space<vmem>> -> memref<128xi32, #tpu.memory_space<vmem>>
        %dma_wait3A_55 = arith.constant 0 : i32
        %dma_wait3A_56 = arith.constant 0 : i32
        %dma_wait3A_57 = tpu.memref_slice %arg8[%dma_wait3A_55, %dma_wait3A_56] : memref<10240x128xf32, #tpu.memory_space<vmem_shared>> -> memref<10240x128xf32, #tpu.memory_space<vmem_shared>>
        tpu.wait_indirect_dma semaphore(%run_scoped3A_45 : memref<!tpu.dma_semaphore, #tpu.memory_space<semaphore_mem>>) src(%arg7 : memref<128x128xf32, #tpu.memory_space<vmem>>) dst(%dma_wait3A_57 : memref<10240x128xf32, #tpu.memory_space<vmem_shared>>)
        tpu.yield
      }) : () -> ()
      %while3A_44 = arith.constant 0 : i32
      scf.yield %while3A_44 : i32
    }
    %while3A_19 = arith.constant 1 : i32
    %while3A_20 = scf.for %while3A_29 = %while3A_16 to %while3A_12 step %while3A_19 iter_args(%while3A_30 = %while3A_18) -> (i32)  : i32 {
      %add3A_31 = arith.addi %add3A, %while3A_29 : i32
      "tpu.region"() ({
        %run_scoped3A_45 = tpu.sem_alloc : memref<!tpu.dma_semaphore, #tpu.memory_space<semaphore_mem>>
        %dma_start3A_46 = arith.constant 0 : i32
        %dma_start3A_47 = arith.constant 0 : i32
        %dma_start3A_48 = tpu.memref_slice %arg3[%add3A_31, %dma_start3A_46, %dma_start3A_47] : memref<2528x2x128xi32, #tpu.memory_space<hbm>> -> memref<1x2x128xi32, #tpu.memory_space<hbm>>
        %dma_start3A_49 = tpu.memref_squeeze %dma_start3A_48 : memref<1x2x128xi32, #tpu.memory_space<hbm>> -> memref<2x128xi32, #tpu.memory_space<hbm>>
        %dma_start3A_50 = arith.constant 0 : i32
        %dma_start3A_51 = arith.constant 0 : i32
        %dma_start3A_52 = tpu.memref_slice %arg3[%add3A_31, %dma_start3A_50, %dma_start3A_51] : memref<2528x2x128xi32, #tpu.memory_space<hbm>> -> memref<1x2x128xi32, #tpu.memory_space<hbm>>
        %dma_start3A_53 = tpu.memref_squeeze %dma_start3A_52 : memref<1x2x128xi32, #tpu.memory_space<hbm>> -> memref<2x128xi32, #tpu.memory_space<hbm>>
        tpu.enqueue_dma source(%dma_start3A_53 : memref<2x128xi32, #tpu.memory_space<hbm>>) target(%arg6 : memref<2x128xi32, #tpu.memory_space<vmem>>) target_semaphore(%run_scoped3A_45 : memref<!tpu.dma_semaphore, #tpu.memory_space<semaphore_mem>>)
        %dma_wait3A_54 = arith.constant 0 : i32
        %dma_wait3A_55 = arith.constant 0 : i32
        %dma_wait3A_56 = tpu.memref_slice %arg3[%add3A_31, %dma_wait3A_54, %dma_wait3A_55] : memref<2528x2x128xi32, #tpu.memory_space<hbm>> -> memref<1x2x128xi32, #tpu.memory_space<hbm>>
        %dma_wait3A_57 = tpu.memref_squeeze %dma_wait3A_56 : memref<1x2x128xi32, #tpu.memory_space<hbm>> -> memref<2x128xi32, #tpu.memory_space<hbm>>
        %dma_wait3A_58 = arith.constant 0 : i32
        %dma_wait3A_59 = arith.constant 0 : i32
        %dma_wait3A_60 = tpu.memref_slice %arg3[%add3A_31, %dma_wait3A_58, %dma_wait3A_59] : memref<2528x2x128xi32, #tpu.memory_space<hbm>> -> memref<1x2x128xi32, #tpu.memory_space<hbm>>
        %dma_wait3A_61 = tpu.memref_squeeze %dma_wait3A_60 : memref<1x2x128xi32, #tpu.memory_space<hbm>> -> memref<2x128xi32, #tpu.memory_space<hbm>>
        tpu.wait_dma2 semaphore(%run_scoped3A_45 : memref<!tpu.dma_semaphore, #tpu.memory_space<semaphore_mem>>) src(%dma_wait3A_61 : memref<2x128xi32, #tpu.memory_space<hbm>>) dst(%arg6 : memref<2x128xi32, #tpu.memory_space<vmem>>)
        tpu.yield
      }) : () -> ()
      %dma_start3A = arith.constant 0 : i32
      %dma_start3A_32 = arith.constant 0 : i32
      %dma_start3A_33 = tpu.memref_slice %arg6[%dma_start3A, %dma_start3A_32] : memref<2x128xi32, #tpu.memory_space<vmem>> -> memref<1x128xi32, #tpu.memory_space<vmem>>
      %dma_start3A_34 = tpu.memref_squeeze %dma_start3A_33 : memref<1x128xi32, #tpu.memory_space<vmem>> -> memref<128xi32, #tpu.memory_space<vmem>>
      %dma_start3A_35 = arith.constant 0 : i32
      %dma_start3A_36 = arith.constant 0 : i32
      %dma_start3A_37 = tpu.memref_slice %arg2[%dma_start3A_35, %dma_start3A_36] : memref<10240x128xf32, #tpu.memory_space<hbm>> -> memref<10240x128xf32, #tpu.memory_space<hbm>>
      tpu.enqueue_indirect_dma source(%dma_start3A_37 : memref<10240x128xf32, #tpu.memory_space<hbm>>) target(%arg7 : memref<128x128xf32, #tpu.memory_space<vmem>>) offsets(%dma_start3A_34 : memref<128xi32, #tpu.memory_space<vmem>>) semaphore(%arg9 : memref<!tpu.dma_semaphore, #tpu.memory_space<semaphore_mem>>)
      %dma_wait3A = arith.constant 0 : i32
      %dma_wait3A_38 = arith.constant 0 : i32
      %dma_wait3A_39 = tpu.memref_slice %arg6[%dma_wait3A, %dma_wait3A_38] : memref<2x128xi32, #tpu.memory_space<vmem>> -> memref<1x128xi32, #tpu.memory_space<vmem>>
      %dma_wait3A_40 = tpu.memref_squeeze %dma_wait3A_39 : memref<1x128xi32, #tpu.memory_space<vmem>> -> memref<128xi32, #tpu.memory_space<vmem>>
      %dma_wait3A_41 = arith.constant 0 : i32
      %dma_wait3A_42 = arith.constant 0 : i32
      %dma_wait3A_43 = tpu.memref_slice %arg2[%dma_wait3A_41, %dma_wait3A_42] : memref<10240x128xf32, #tpu.memory_space<hbm>> -> memref<10240x128xf32, #tpu.memory_space<hbm>>
      tpu.wait_indirect_dma semaphore(%arg9 : memref<!tpu.dma_semaphore, #tpu.memory_space<semaphore_mem>>) src(%dma_wait3A_43 : memref<10240x128xf32, #tpu.memory_space<hbm>>) dst(%arg7 : memref<128x128xf32, #tpu.memory_space<vmem>>)
      %run_scoped3A = arith.constant 1 : i32
      "tpu.region"() ({
        %run_scoped3A_45 = tpu.sem_alloc : memref<!tpu.dma_semaphore, #tpu.memory_space<semaphore_mem>>
        %dma_start3A_46 = arith.constant 0 : i32
        %dma_start3A_47 = tpu.memref_slice %arg6[%run_scoped3A, %dma_start3A_46] : memref<2x128xi32, #tpu.memory_space<vmem>> -> memref<1x128xi32, #tpu.memory_space<vmem>>
        %dma_start3A_48 = tpu.memref_squeeze %dma_start3A_47 : memref<1x128xi32, #tpu.memory_space<vmem>> -> memref<128xi32, #tpu.memory_space<vmem>>
        %dma_start3A_49 = arith.constant 0 : i32
        %dma_start3A_50 = arith.constant 0 : i32
        %dma_start3A_51 = tpu.memref_slice %arg8[%dma_start3A_49, %dma_start3A_50] : memref<10240x128xf32, #tpu.memory_space<vmem_shared>> -> memref<10240x128xf32, #tpu.memory_space<vmem_shared>>
        tpu.enqueue_indirect_dma source(%arg7 : memref<128x128xf32, #tpu.memory_space<vmem>>) target(%dma_start3A_51 : memref<10240x128xf32, #tpu.memory_space<vmem_shared>>) offsets(%dma_start3A_48 : memref<128xi32, #tpu.memory_space<vmem>>) semaphore(%run_scoped3A_45 : memref<!tpu.dma_semaphore, #tpu.memory_space<semaphore_mem>>) {add = true}
        %dma_wait3A_52 = arith.constant 0 : i32
        %dma_wait3A_53 = tpu.memref_slice %arg6[%run_scoped3A, %dma_wait3A_52] : memref<2x128xi32, #tpu.memory_space<vmem>> -> memref<1x128xi32, #tpu.memory_space<vmem>>
        %dma_wait3A_54 = tpu.memref_squeeze %dma_wait3A_53 : memref<1x128xi32, #tpu.memory_space<vmem>> -> memref<128xi32, #tpu.memory_space<vmem>>
        %dma_wait3A_55 = arith.constant 0 : i32
        %dma_wait3A_56 = arith.constant 0 : i32
        %dma_wait3A_57 = tpu.memref_slice %arg8[%dma_wait3A_55, %dma_wait3A_56] : memref<10240x128xf32, #tpu.memory_space<vmem_shared>> -> memref<10240x128xf32, #tpu.memory_space<vmem_shared>>
        tpu.wait_indirect_dma semaphore(%run_scoped3A_45 : memref<!tpu.dma_semaphore, #tpu.memory_space<semaphore_mem>>) src(%arg7 : memref<128x128xf32, #tpu.memory_space<vmem>>) dst(%dma_wait3A_57 : memref<10240x128xf32, #tpu.memory_space<vmem_shared>>)
        tpu.yield
      }) : () -> ()
      %while3A_44 = arith.constant 0 : i32
      scf.yield %while3A_44 : i32
    }
    %barrier3A_21 = arith.constant 0 : index
    tpu.barrier barrier_id(%barrier3A_21)
    %scan3A_22 = arith.constant 0 : i32
    %scan3A_23 = arith.constant 0 : i32
    %scan3A_24 = arith.constant 5 : i32
    %scan3A_25 = arith.addi %scan3A_23, %scan3A_24 : i32
    %scan3A_26 = arith.constant 1 : i32
    %scan3A_27 = scf.for %scan3A_29 = %scan3A_23 to %scan3A_25 step %scan3A_26 iter_args(%scan3A_30 = %scan3A_22) -> (i32)  : i32 {
      %mul3A_31 = arith.constant 640 : i32
      %mul3A_32 = arith.muli %arg1, %mul3A_31 : i32
      %mul3A_33 = arith.constant 128 : i32
      %mul3A_34 = arith.muli %scan3A_29, %mul3A_33 : i32
      %add3A_35 = arith.addi %mul3A_32, %mul3A_34 : i32
      %mul3A_36 = arith.constant 10240 : i32
      %mul3A_37 = arith.muli %arg0, %mul3A_36 : i32
      %add3A_38 = arith.addi %mul3A_37, %add3A_35 : i32
      "tpu.region"() ({
        %run_scoped3A = tpu.sem_alloc : memref<!tpu.dma_semaphore, #tpu.memory_space<semaphore_mem>>
        %dma_start3A = arith.constant 0 : i32
        %dma_start3A_40 = tpu.memref_slice %arg5[%add3A_38, %dma_start3A] : memref<20480x128xf32, #tpu.memory_space<hbm>> -> memref<128x128xf32, #tpu.memory_space<hbm>>
        %dma_start3A_41 = arith.constant 0 : i32
        %dma_start3A_42 = tpu.memref_slice %arg8[%add3A_35, %dma_start3A_41] : memref<10240x128xf32, #tpu.memory_space<vmem_shared>> -> memref<128x128xf32, #tpu.memory_space<vmem_shared>>
        tpu.enqueue_dma source(%dma_start3A_42 : memref<128x128xf32, #tpu.memory_space<vmem_shared>>) target(%dma_start3A_40 : memref<128x128xf32, #tpu.memory_space<hbm>>) target_semaphore(%run_scoped3A : memref<!tpu.dma_semaphore, #tpu.memory_space<semaphore_mem>>)
        %dma_wait3A = arith.constant 0 : i32
        %dma_wait3A_43 = tpu.memref_slice %arg5[%add3A_38, %dma_wait3A] : memref<20480x128xf32, #tpu.memory_space<hbm>> -> memref<128x128xf32, #tpu.memory_space<hbm>>
        %dma_wait3A_44 = arith.constant 0 : i32
        %dma_wait3A_45 = tpu.memref_slice %arg8[%add3A_35, %dma_wait3A_44] : memref<10240x128xf32, #tpu.memory_space<vmem_shared>> -> memref<128x128xf32, #tpu.memory_space<vmem_shared>>
        tpu.wait_dma2 semaphore(%run_scoped3A : memref<!tpu.dma_semaphore, #tpu.memory_space<semaphore_mem>>) src(%dma_wait3A_45 : memref<128x128xf32, #tpu.memory_space<vmem_shared>>) dst(%dma_wait3A_43 : memref<128x128xf32, #tpu.memory_space<hbm>>)
        tpu.yield
      }) : () -> ()
      %scan3A_39 = arith.constant 0 : i32
      scf.yield %scan3A_39 : i32
    }
    %scan3A_28 = arith.constant 5 : i32
    return
  }
}

module attributes {stable_mosaic.version = 14 : i64} {
  func.func @_conv_body(%arg0: i32, %arg1: memref<1024x128xf32, #tpu.memory_space<vmem>>, %arg2: memref<1024x128xf32, #tpu.memory_space<vmem>>, %arg3: memref<1024x128xf32, #tpu.memory_space<vmem>>, %arg4: memref<1024x1xf32, #tpu.memory_space<vmem>>, %arg5: memref<128x128xf32, #tpu.memory_space<vmem>>, %arg6: memref<1x128xf32, #tpu.memory_space<vmem>>, %arg7: memref<128x128xf32, #tpu.memory_space<vmem>>, %arg8: memref<128x1xf32, #tpu.memory_space<vmem>>, %arg9: memref<1024x128xf32, #tpu.memory_space<vmem>>, %arg10: memref<1024x1xf32, #tpu.memory_space<vmem>>) attributes {dimension_semantics = [#tpu.dimension_semantics<arbitrary>], iteration_bounds = array<i64: 10>, scalar_prefetch = 0 : i64, scratch_operands = 0 : i64, tpu.core_type = #tpu.core_type<tc>, window_params = [{transform_indices = @transform_0, window_bounds = array<i64: 1024, 128>}, {transform_indices = @transform_1, window_bounds = array<i64: 1024, 128>}, {transform_indices = @transform_2, window_bounds = array<i64: 1024, 128>}, {transform_indices = @transform_3, window_bounds = array<i64: 1024, 1>}, {pipeline_mode = #tpu.pipeline_mode<synchronous>, transform_indices = @transform_4, window_bounds = array<i64: 128, 128>}, {pipeline_mode = #tpu.pipeline_mode<synchronous>, transform_indices = @transform_5, window_bounds = array<i64: 1, 128>}, {pipeline_mode = #tpu.pipeline_mode<synchronous>, transform_indices = @transform_6, window_bounds = array<i64: 128, 128>}, {pipeline_mode = #tpu.pipeline_mode<synchronous>, transform_indices = @transform_7, window_bounds = array<i64: 128, 1>}, {transform_indices = @transform_8, window_bounds = array<i64: 1024, 128>}, {transform_indices = @transform_9, window_bounds = array<i64: 1024, 1>}]} {
    %get3A = arith.constant 0 : index
    %get3A_0 = arith.constant 0 : index
    %get3A_1 = vector.load %arg1[%get3A, %get3A_0] : memref<1024x128xf32, #tpu.memory_space<vmem>>, vector<1024x128xf32>
    %get3A_2 = arith.constant 0 : index
    %get3A_3 = arith.constant 0 : index
    %get3A_4 = vector.load %arg2[%get3A_2, %get3A_3] : memref<1024x128xf32, #tpu.memory_space<vmem>>, vector<1024x128xf32>
    %add3A = arith.addf %get3A_1, %get3A_4 : vector<1024x128xf32>
    %get3A_5 = arith.constant 0 : index
    %get3A_6 = arith.constant 0 : index
    %get3A_7 = vector.load %arg5[%get3A_5, %get3A_6] : memref<128x128xf32, #tpu.memory_space<vmem>>, vector<128x128xf32>
    %dot_general3A = arith.constant dense<0.000000e+00> : vector<1024x128xf32>
    %dot_general3A_8 = tpu.matmul %add3A, %get3A_7, %dot_general3A {dimension_numbers = #tpu.dot_dimension_numbers<[1], [1], [0], [0], [0, 0, 1, 0], [], []>, transpose_lhs_hint = false} : vector<1024x128xf32>, vector<128x128xf32>, vector<1024x128xf32> -> vector<1024x128xf32>
    %get3A_9 = arith.constant 0 : index
    %get3A_10 = arith.constant 0 : index
    %get3A_11 = vector.load %arg6[%get3A_9, %get3A_10] : memref<1x128xf32, #tpu.memory_space<vmem>>, vector<1x128xf32>
    %add3A_12 = vector.broadcast %get3A_11 : vector<1x128xf32> to vector<1024x128xf32>
    %add3A_13 = arith.addf %dot_general3A_8, %add3A_12 : vector<1024x128xf32>
    %get3A_14 = arith.constant 0 : index
    %get3A_15 = arith.constant 0 : index
    %get3A_16 = vector.load %arg3[%get3A_14, %get3A_15] : memref<1024x128xf32, #tpu.memory_space<vmem>>, vector<1024x128xf32>
    %get3A_17 = arith.constant 0 : index
    %get3A_18 = arith.constant 0 : index
    %get3A_19 = vector.load %arg7[%get3A_17, %get3A_18] : memref<128x128xf32, #tpu.memory_space<vmem>>, vector<128x128xf32>
    %dot_general3A_20 = arith.constant dense<0.000000e+00> : vector<1024x128xf32>
    %dot_general3A_21 = tpu.matmul %get3A_16, %get3A_19, %dot_general3A_20 {dimension_numbers = #tpu.dot_dimension_numbers<[1], [1], [0], [0], [0, 0, 1, 0], [], []>, transpose_lhs_hint = false} : vector<1024x128xf32>, vector<128x128xf32>, vector<1024x128xf32> -> vector<1024x128xf32>
    %add3A_22 = arith.addf %add3A_13, %dot_general3A_21 : vector<1024x128xf32>
    %max3A = arith.constant 0.000000e+00 : f32
    %max3A_23 = vector.broadcast %max3A : f32 to vector<1024x128xf32>
    %max3A_24 = arith.maximumf %add3A_22, %max3A_23 : vector<1024x128xf32>
    %get3A_25 = arith.constant 0 : index
    %get3A_26 = arith.constant 0 : index
    %get3A_27 = vector.load %arg4[%get3A_25, %get3A_26] : memref<1024x1xf32, #tpu.memory_space<vmem>>, vector<1024x1xf32>
    %mul3A = vector.broadcast %get3A_27 : vector<1024x1xf32> to vector<1024x128xf32>
    %mul3A_28 = arith.mulf %max3A_24, %mul3A : vector<1024x128xf32>
    %swap3A = arith.constant 0 : index
    %swap3A_29 = arith.constant 0 : index
    %swap3A_30 = vector.load %arg9[%swap3A, %swap3A_29] : memref<1024x128xf32, #tpu.memory_space<vmem>>, vector<1024x128xf32>
    tpu.vector_store %arg9[%swap3A, %swap3A_29], %mul3A_28 {strides = array<i32>} : memref<1024x128xf32, #tpu.memory_space<vmem>>, vector<1024x128xf32>,
    %get3A_31 = arith.constant 0 : index
    %get3A_32 = arith.constant 0 : index
    %get3A_33 = vector.load %arg8[%get3A_31, %get3A_32] : memref<128x1xf32, #tpu.memory_space<vmem>>, vector<128x1xf32>
    %mul3A_34 = arith.mulf %get3A_33, %get3A_33 : vector<128x1xf32>
    %reduce_sum3A = vector.shape_cast %mul3A_34 : vector<128x1xf32> to vector<1x128x1xf32>
    %reduce_sum3A_35 = arith.constant dense<0.000000e+00> : vector<1xf32>
    %reduce_sum3A_36 = vector.multi_reduction <add>, %reduce_sum3A, %reduce_sum3A_35 [1, 2] : vector<1x128x1xf32> to vector<1xf32>
    %reduce_sum3A_37 = vector.shape_cast %reduce_sum3A_36 : vector<1xf32> to vector<1x1x1xf32>
    %reduce_sum3A_38 = vector.extract %reduce_sum3A_37[0, 0, 0] : f32 from vector<1x1x1xf32>
    %sqrt3A = math.sqrt %reduce_sum3A_38 : f32
    %add3A_39 = arith.constant 1.000000e-16 : f32
    %add3A_40 = arith.addf %sqrt3A, %add3A_39 : f32
    %dot_general3A_41 = arith.constant dense<0.000000e+00> : vector<1024x1xf32>
    %dot_general3A_42 = tpu.matmul %mul3A_28, %get3A_33, %dot_general3A_41 {dimension_numbers = #tpu.dot_dimension_numbers<[1], [0], [0], [1], [0, 0, 1, 1], [], []>, transpose_lhs_hint = false} : vector<1024x128xf32>, vector<128x1xf32>, vector<1024x1xf32> -> vector<1024x1xf32>
    %div3A = vector.broadcast %add3A_40 : f32 to vector<1024x1xf32>
    %div3A_43 = arith.divf %dot_general3A_42, %div3A : vector<1024x1xf32>
    %tanh3A = math.tanh %div3A_43 : vector<1024x1xf32>
    %swap3A_44 = arith.constant 0 : index
    %swap3A_45 = arith.constant 0 : index
    %swap3A_46 = vector.load %arg10[%swap3A_44, %swap3A_45] : memref<1024x1xf32, #tpu.memory_space<vmem>>, vector<1024x1xf32>
    tpu.vector_store %arg10[%swap3A_44, %swap3A_45], %tanh3A {strides = array<i32>} : memref<1024x1xf32, #tpu.memory_space<vmem>>, vector<1024x1xf32>,
    return
  }
  func.func @transform_0(%arg0: i32) -> (i32, i32) {
    %c0_i32 = arith.constant 0 : i32
    %c0_i32_0 = arith.constant 0 : i32
    return %arg0, %c0_i32 : i32, i32
  }
  func.func @transform_1(%arg0: i32) -> (i32, i32) {
    %c0_i32 = arith.constant 0 : i32
    %c0_i32_0 = arith.constant 0 : i32
    return %arg0, %c0_i32 : i32, i32
  }
  func.func @transform_2(%arg0: i32) -> (i32, i32) {
    %c0_i32 = arith.constant 0 : i32
    %c0_i32_0 = arith.constant 0 : i32
    return %arg0, %c0_i32 : i32, i32
  }
  func.func @transform_3(%arg0: i32) -> (i32, i32) {
    %c0_i32 = arith.constant 0 : i32
    %c0_i32_0 = arith.constant 0 : i32
    return %arg0, %c0_i32 : i32, i32
  }
  func.func @transform_4(%arg0: i32) -> (i32, i32) {
    %c0_i32 = arith.constant 0 : i32
    %c0_i32_0 = arith.constant 0 : i32
    %c0_i32_1 = arith.constant 0 : i32
    return %c0_i32, %c0_i32_0 : i32, i32
  }
  func.func @transform_5(%arg0: i32) -> (i32, i32) {
    %c0_i32 = arith.constant 0 : i32
    %c0_i32_0 = arith.constant 0 : i32
    %c0_i32_1 = arith.constant 0 : i32
    return %c0_i32, %c0_i32_0 : i32, i32
  }
  func.func @transform_6(%arg0: i32) -> (i32, i32) {
    %c0_i32 = arith.constant 0 : i32
    %c0_i32_0 = arith.constant 0 : i32
    %c0_i32_1 = arith.constant 0 : i32
    return %c0_i32, %c0_i32_0 : i32, i32
  }
  func.func @transform_7(%arg0: i32) -> (i32, i32) {
    %c0_i32 = arith.constant 0 : i32
    %c0_i32_0 = arith.constant 0 : i32
    %c0_i32_1 = arith.constant 0 : i32
    return %c0_i32, %c0_i32_0 : i32, i32
  }
  func.func @transform_8(%arg0: i32) -> (i32, i32) {
    %c0_i32 = arith.constant 0 : i32
    %c0_i32_0 = arith.constant 0 : i32
    return %arg0, %c0_i32 : i32, i32
  }
  func.func @transform_9(%arg0: i32) -> (i32, i32) {
    %c0_i32 = arith.constant 0 : i32
    %c0_i32_0 = arith.constant 0 : i32
    return %arg0, %c0_i32 : i32, i32
  }
}

module attributes {stable_mosaic.version = 14 : i64} {
  func.func @body(%arg0: memref<80x128xf32, #tpu.memory_space<vmem>>, %arg1: memref<80x128xf32, #tpu.memory_space<vmem>>, %arg2: memref<80x128xf32, #tpu.memory_space<vmem>>) attributes {dimension_semantics = [], scalar_prefetch = 0 : i64, scratch_operands = 0 : i64, tpu.core_type = #tpu.core_type<tc>} {
    %get3A = arith.constant 0 : index
    %get3A_0 = arith.constant 0 : index
    %get3A_1 = vector.load %arg1[%get3A, %get3A_0] : memref<80x128xf32, #tpu.memory_space<vmem>>, vector<80x128xf32>
    %gt3A = arith.constant 0.000000e+00 : f32
    %gt3A_2 = vector.broadcast %gt3A : f32 to vector<80x128xf32>
    %gt3A_3 = arith.cmpf ogt, %get3A_1, %gt3A_2 : vector<80x128xf32>
    %broadcast_in_dim3A = arith.constant false
    %broadcast_in_dim3A_4 = vector.broadcast %broadcast_in_dim3A : i1 to vector<80x128xi1>
    %get3A_5 = arith.constant 0 : index
    %get3A_6 = arith.constant 0 : index
    %get3A_7 = vector.load %arg0[%get3A_5, %get3A_6] : memref<80x128xf32, #tpu.memory_space<vmem>>, vector<80x128xf32>
    %bitcast_convert_type3A = tpu.bitcast %get3A_7 : vector<80x128xf32> -> vector<80x128xi32>
    %lt3A = arith.constant -2147483648 : i32
    %lt3A_8 = vector.broadcast %lt3A : i32 to vector<80x128xi32>
    %lt3A_9 = arith.cmpi ult, %bitcast_convert_type3A, %lt3A_8 : vector<80x128xi32>
    %or3A = arith.constant -2147483648 : i32
    %or3A_10 = vector.broadcast %or3A : i32 to vector<80x128xi32>
    %or3A_11 = arith.ori %bitcast_convert_type3A, %or3A_10 : vector<80x128xi32>
    %not3A = arith.constant dense<-1> : vector<80x128xi32>
    %not3A_12 = arith.xori %bitcast_convert_type3A, %not3A : vector<80x128xi32>
    %select_n3A = arith.select %lt3A_9, %or3A_11, %not3A_12 : vector<80x128xi1>, vector<80x128xi32>
    %scan3A = arith.constant 5000 : i32
    %scan3A_13 = arith.constant 0 : i32
    %scan3A_14 = arith.constant 0 : i32
    %scan3A_15 = arith.constant 32 : i32
    %scan3A_16 = arith.addi %scan3A_14, %scan3A_15 : i32
    %scan3A_17 = arith.constant 1 : i32
    %scan3A_18 = scf.for %scan3A_48 = %scan3A_14 to %scan3A_16 step %scan3A_17 iter_args(%scan3A_49 = %scan3A_13) -> (i32)  : i32 {
      %sub3A_50 = arith.constant 31 : i32
      %sub3A_51 = arith.subi %sub3A_50, %scan3A_48 : i32
      %shift_left3A = arith.constant 1 : i32
      %shift_left3A_52 = arith.shli %shift_left3A, %sub3A_51 : i32
      %or3A_53 = arith.ori %scan3A_49, %shift_left3A_52 : i32
      %ge3A = vector.broadcast %or3A_53 : i32 to vector<80x128xi32>
      %ge3A_54 = arith.cmpi uge, %select_n3A, %ge3A : vector<80x128xi32>
      %and3A_55 = arith.andi %gt3A_3, %ge3A_54 : vector<80x128xi1>
      %convert_element_type3A_56 = arith.extui %and3A_55 : vector<80x128xi1> to vector<80x128xi32>
      %reduce_sum3A_57 = vector.shape_cast %convert_element_type3A_56 : vector<80x128xi32> to vector<1x80x128xi32>
      %reduce_sum3A_58 = arith.constant dense<0> : vector<1xi32>
      %reduce_sum3A_59 = vector.multi_reduction <add>, %reduce_sum3A_57, %reduce_sum3A_58 [1, 2] : vector<1x80x128xi32> to vector<1xi32>
      %reduce_sum3A_60 = vector.shape_cast %reduce_sum3A_59 : vector<1xi32> to vector<1x1x1xi32>
      %reduce_sum3A_61 = vector.extract %reduce_sum3A_60[0, 0, 0] : i32 from vector<1x1x1xi32>
      %ge3A_62 = arith.cmpi sge, %reduce_sum3A_61, %scan3A : i32
      %select_n3A_63 = arith.select %ge3A_62, %or3A_53, %scan3A_49 : i32
      scf.yield %select_n3A_63 : i32
    }
    %scan3A_19 = arith.constant 32 : i32
    %gt3A_20 = vector.broadcast %scan3A_18 : i32 to vector<80x128xi32>
    %gt3A_21 = arith.cmpi ugt, %select_n3A, %gt3A_20 : vector<80x128xi32>
    %and3A = arith.andi %gt3A_3, %gt3A_21 : vector<80x128xi1>
    %or3A_22 = arith.ori %broadcast_in_dim3A_4, %and3A : vector<80x128xi1>
    %convert_element_type3A = arith.extui %and3A : vector<80x128xi1> to vector<80x128xi32>
    %reduce_sum3A = vector.shape_cast %convert_element_type3A : vector<80x128xi32> to vector<1x80x128xi32>
    %reduce_sum3A_23 = arith.constant dense<0> : vector<1xi32>
    %reduce_sum3A_24 = vector.multi_reduction <add>, %reduce_sum3A, %reduce_sum3A_23 [1, 2] : vector<1x80x128xi32> to vector<1xi32>
    %reduce_sum3A_25 = vector.shape_cast %reduce_sum3A_24 : vector<1xi32> to vector<1x1x1xi32>
    %reduce_sum3A_26 = vector.extract %reduce_sum3A_25[0, 0, 0] : i32 from vector<1x1x1xi32>
    %sub3A = arith.constant 5000 : i32
    %sub3A_27 = arith.subi %sub3A, %reduce_sum3A_26 : i32
    %eq3A = vector.broadcast %scan3A_18 : i32 to vector<80x128xi32>
    %eq3A_28 = arith.cmpi eq, %select_n3A, %eq3A : vector<80x128xi32>
    %and3A_29 = arith.andi %gt3A_3, %eq3A_28 : vector<80x128xi1>
    %iota3A = tpu.iota {dimensions = array<i32: 0>} : vector<80x128xi32>
    %mul3A = arith.constant 128 : i32
    %mul3A_30 = vector.broadcast %mul3A : i32 to vector<80x128xi32>
    %mul3A_31 = arith.muli %iota3A, %mul3A_30 : vector<80x128xi32>
    %iota3A_32 = tpu.iota {dimensions = array<i32: 1>} : vector<80x128xi32>
    %add3A = arith.addi %mul3A_31, %iota3A_32 : vector<80x128xi32>
    %scan3A_33 = arith.constant 0 : i32
    %scan3A_34 = arith.constant 0 : i32
    %scan3A_35 = arith.constant 15 : i32
    %scan3A_36 = arith.addi %scan3A_34, %scan3A_35 : i32
    %scan3A_37 = arith.constant 1 : i32
    %scan3A_38 = scf.for %scan3A_48 = %scan3A_34 to %scan3A_36 step %scan3A_37 iter_args(%scan3A_49 = %scan3A_33) -> (i32)  : i32 {
      %sub3A_50 = arith.constant 14 : i32
      %sub3A_51 = arith.subi %sub3A_50, %scan3A_48 : i32
      %shift_left3A = arith.constant 1 : i32
      %shift_left3A_52 = arith.shli %shift_left3A, %sub3A_51 : i32
      %add3A_53 = arith.addi %scan3A_49, %shift_left3A_52 : i32
      %lt3A_54 = vector.broadcast %add3A_53 : i32 to vector<80x128xi32>
      %lt3A_55 = arith.cmpi slt, %add3A, %lt3A_54 : vector<80x128xi32>
      %and3A_56 = arith.andi %and3A_29, %lt3A_55 : vector<80x128xi1>
      %convert_element_type3A_57 = arith.extui %and3A_56 : vector<80x128xi1> to vector<80x128xi32>
      %reduce_sum3A_58 = vector.shape_cast %convert_element_type3A_57 : vector<80x128xi32> to vector<1x80x128xi32>
      %reduce_sum3A_59 = arith.constant dense<0> : vector<1xi32>
      %reduce_sum3A_60 = vector.multi_reduction <add>, %reduce_sum3A_58, %reduce_sum3A_59 [1, 2] : vector<1x80x128xi32> to vector<1xi32>
      %reduce_sum3A_61 = vector.shape_cast %reduce_sum3A_60 : vector<1xi32> to vector<1x1x1xi32>
      %reduce_sum3A_62 = vector.extract %reduce_sum3A_61[0, 0, 0] : i32 from vector<1x1x1xi32>
      %le3A = arith.cmpi sle, %reduce_sum3A_62, %sub3A_27 : i32
      %select_n3A_63 = arith.select %le3A, %add3A_53, %scan3A_49 : i32
      scf.yield %select_n3A_63 : i32
    }
    %scan3A_39 = arith.constant 15 : i32
    %lt3A_40 = vector.broadcast %scan3A_38 : i32 to vector<80x128xi32>
    %lt3A_41 = arith.cmpi slt, %add3A, %lt3A_40 : vector<80x128xi32>
    %and3A_42 = arith.andi %and3A_29, %lt3A_41 : vector<80x128xi1>
    %or3A_43 = arith.ori %or3A_22, %and3A_42 : vector<80x128xi1>
    %convert_element_type3A_44 = arith.extui %or3A_43 : vector<80x128xi1> to vector<80x128xi32>
    %convert_element_type3A_45 = arith.sitofp %convert_element_type3A_44 : vector<80x128xi32> to vector<80x128xf32>
    %swap3A = arith.constant 0 : index
    %swap3A_46 = arith.constant 0 : index
    %swap3A_47 = vector.load %arg2[%swap3A, %swap3A_46] : memref<80x128xf32, #tpu.memory_space<vmem>>, vector<80x128xf32>
    tpu.vector_store %arg2[%swap3A, %swap3A_46], %convert_element_type3A_45 {strides = array<i32>} : memref<80x128xf32, #tpu.memory_space<vmem>>, vector<80x128xf32>,
    return
  }
}

module attributes {stable_mosaic.version = 14 : i64} {
  func.func @_scale_body(%arg0: i32, %arg1: memref<1024x128xf32, #tpu.memory_space<vmem>>, %arg2: memref<1024x1xf32, #tpu.memory_space<vmem>>, %arg3: memref<1024x1xf32, #tpu.memory_space<vmem>>, %arg4: memref<1024x128xf32, #tpu.memory_space<vmem>>, %arg5: memref<1x128xf32, #tpu.memory_space<vmem>>, %arg6: memref<1x128xf32, #tpu.memory_space<vmem>>) attributes {dimension_semantics = [#tpu.dimension_semantics<arbitrary>], iteration_bounds = array<i64: 10>, scalar_prefetch = 0 : i64, scratch_operands = 0 : i64, tpu.core_type = #tpu.core_type<tc>, window_params = [{transform_indices = @transform_0, window_bounds = array<i64: 1024, 128>}, {transform_indices = @transform_1, window_bounds = array<i64: 1024, 1>}, {transform_indices = @transform_2, window_bounds = array<i64: 1024, 1>}, {transform_indices = @transform_3, window_bounds = array<i64: 1024, 128>}, {pipeline_mode = #tpu.pipeline_mode<synchronous>, transform_indices = @transform_4, window_bounds = array<i64: 1, 128>}, {pipeline_mode = #tpu.pipeline_mode<synchronous>, transform_indices = @transform_5, window_bounds = array<i64: 1, 128>}]} {
    %get3A = arith.constant 0 : index
    %get3A_0 = arith.constant 0 : index
    %get3A_1 = vector.load %arg1[%get3A, %get3A_0] : memref<1024x128xf32, #tpu.memory_space<vmem>>, vector<1024x128xf32>
    %get3A_2 = arith.constant 0 : index
    %get3A_3 = arith.constant 0 : index
    %get3A_4 = vector.load %arg2[%get3A_2, %get3A_3] : memref<1024x1xf32, #tpu.memory_space<vmem>>, vector<1024x1xf32>
    %mul3A = vector.broadcast %get3A_4 : vector<1024x1xf32> to vector<1024x128xf32>
    %mul3A_5 = arith.mulf %get3A_1, %mul3A : vector<1024x128xf32>
    %get3A_6 = arith.constant 0 : index
    %get3A_7 = arith.constant 0 : index
    %get3A_8 = vector.load %arg3[%get3A_6, %get3A_7] : memref<1024x1xf32, #tpu.memory_space<vmem>>, vector<1024x1xf32>
    %mul3A_9 = vector.broadcast %get3A_8 : vector<1024x1xf32> to vector<1024x128xf32>
    %mul3A_10 = arith.mulf %mul3A_5, %mul3A_9 : vector<1024x128xf32>
    %swap3A = arith.constant 0 : index
    %swap3A_11 = arith.constant 0 : index
    %swap3A_12 = vector.load %arg4[%swap3A, %swap3A_11] : memref<1024x128xf32, #tpu.memory_space<vmem>>, vector<1024x128xf32>
    tpu.vector_store %arg4[%swap3A, %swap3A_11], %mul3A_10 {strides = array<i32>} : memref<1024x128xf32, #tpu.memory_space<vmem>>, vector<1024x128xf32>,
    %get3A_13 = arith.constant 0 : index
    %get3A_14 = arith.constant 0 : index
    %get3A_15 = vector.load %arg3[%get3A_13, %get3A_14] : memref<1024x1xf32, #tpu.memory_space<vmem>>, vector<1024x1xf32>
    %gt3A = arith.constant 0.000000e+00 : f32
    %gt3A_16 = vector.broadcast %gt3A : f32 to vector<1024x1xf32>
    %gt3A_17 = arith.cmpf ogt, %get3A_15, %gt3A_16 : vector<1024x1xf32>
    %jit3A = arith.constant 0xFF800000 : f32
    %broadcast_in_dim3A = vector.shape_cast %gt3A_17 : vector<1024x1xi1> to vector<1024x1xi1>
    %broadcast_in_dim3A_18 = vector.broadcast %broadcast_in_dim3A : vector<1024x1xi1> to vector<1024x128xi1>
    %broadcast_in_dim3A_19 = vector.broadcast %jit3A : f32 to vector<1024x128xf32>
    %select_n3A = arith.select %broadcast_in_dim3A_18, %mul3A_10, %broadcast_in_dim3A_19 : vector<1024x128xi1>, vector<1024x128xf32>
    %reduce_max3A = arith.constant dense<0xFF800000> : vector<128xf32>
    %reduce_max3A_20 = vector.multi_reduction <maximumf>, %select_n3A, %reduce_max3A [0] : vector<1024x128xf32> to vector<128xf32>
    %broadcast_in_dim3A_21 = vector.shape_cast %reduce_max3A_20 : vector<128xf32> to vector<1x128xf32>
    %reduce_sum3A = arith.constant dense<0.000000e+00> : vector<128xf32>
    %reduce_sum3A_22 = vector.multi_reduction <add>, %mul3A_10, %reduce_sum3A [0] : vector<1024x128xf32> to vector<128xf32>
    %broadcast_in_dim3A_23 = vector.shape_cast %reduce_sum3A_22 : vector<128xf32> to vector<1x128xf32>
    %eq3A = arith.constant 0 : i32
    %eq3A_24 = arith.cmpi eq, %arg0, %eq3A : i32
    %convert_element_type3A = arith.extui %eq3A_24 : i1 to i32
    %cond3A = arith.constant 0 : i32
    %cond3A_25 = arith.cmpi ne, %convert_element_type3A, %cond3A : i32
    scf.if %cond3A_25 {
      %swap3A_31 = arith.constant 0 : index
      %swap3A_32 = arith.constant 0 : index
      %swap3A_33 = vector.load %arg5[%swap3A_31, %swap3A_32] : memref<1x128xf32, #tpu.memory_space<vmem>>, vector<1x128xf32>
      tpu.vector_store %arg5[%swap3A_31, %swap3A_32], %broadcast_in_dim3A_21 {strides = array<i32>} : memref<1x128xf32, #tpu.memory_space<vmem>>, vector<1x128xf32>,
      %swap3A_34 = arith.constant 0 : index
      %swap3A_35 = arith.constant 0 : index
      %swap3A_36 = vector.load %arg6[%swap3A_34, %swap3A_35] : memref<1x128xf32, #tpu.memory_space<vmem>>, vector<1x128xf32>
      tpu.vector_store %arg6[%swap3A_34, %swap3A_35], %broadcast_in_dim3A_23 {strides = array<i32>} : memref<1x128xf32, #tpu.memory_space<vmem>>, vector<1x128xf32>,
    } else {
    }
    %gt3A_26 = arith.constant 0 : i32
    %gt3A_27 = arith.cmpi sgt, %arg0, %gt3A_26 : i32
    %convert_element_type3A_28 = arith.extui %gt3A_27 : i1 to i32
    %cond3A_29 = arith.constant 0 : i32
    %cond3A_30 = arith.cmpi ne, %convert_element_type3A_28, %cond3A_29 : i32
    scf.if %cond3A_30 {
      %get3A_31 = arith.constant 0 : index
      %get3A_32 = arith.constant 0 : index
      %get3A_33 = vector.load %arg5[%get3A_31, %get3A_32] : memref<1x128xf32, #tpu.memory_space<vmem>>, vector<1x128xf32>
      %max3A = arith.maximumf %get3A_33, %broadcast_in_dim3A_21 : vector<1x128xf32>
      %swap3A_34 = arith.constant 0 : index
      %swap3A_35 = arith.constant 0 : index
      %swap3A_36 = vector.load %arg5[%swap3A_34, %swap3A_35] : memref<1x128xf32, #tpu.memory_space<vmem>>, vector<1x128xf32>
      tpu.vector_store %arg5[%swap3A_34, %swap3A_35], %max3A {strides = array<i32>} : memref<1x128xf32, #tpu.memory_space<vmem>>, vector<1x128xf32>,
      %get3A_37 = arith.constant 0 : index
      %get3A_38 = arith.constant 0 : index
      %get3A_39 = vector.load %arg6[%get3A_37, %get3A_38] : memref<1x128xf32, #tpu.memory_space<vmem>>, vector<1x128xf32>
      %add3A = arith.addf %get3A_39, %broadcast_in_dim3A_23 : vector<1x128xf32>
      %swap3A_40 = arith.constant 0 : index
      %swap3A_41 = arith.constant 0 : index
      %swap3A_42 = vector.load %arg6[%swap3A_40, %swap3A_41] : memref<1x128xf32, #tpu.memory_space<vmem>>, vector<1x128xf32>
      tpu.vector_store %arg6[%swap3A_40, %swap3A_41], %add3A {strides = array<i32>} : memref<1x128xf32, #tpu.memory_space<vmem>>, vector<1x128xf32>,
    } else {
    }
    return
  }
  func.func @transform_0(%arg0: i32) -> (i32, i32) {
    %c0_i32 = arith.constant 0 : i32
    %c0_i32_0 = arith.constant 0 : i32
    return %arg0, %c0_i32 : i32, i32
  }
  func.func @transform_1(%arg0: i32) -> (i32, i32) {
    %c0_i32 = arith.constant 0 : i32
    %c0_i32_0 = arith.constant 0 : i32
    return %arg0, %c0_i32 : i32, i32
  }
  func.func @transform_2(%arg0: i32) -> (i32, i32) {
    %c0_i32 = arith.constant 0 : i32
    %c0_i32_0 = arith.constant 0 : i32
    return %arg0, %c0_i32 : i32, i32
  }
  func.func @transform_3(%arg0: i32) -> (i32, i32) {
    %c0_i32 = arith.constant 0 : i32
    %c0_i32_0 = arith.constant 0 : i32
    return %arg0, %c0_i32 : i32, i32
  }
  func.func @transform_4(%arg0: i32) -> (i32, i32) {
    %c0_i32 = arith.constant 0 : i32
    %c0_i32_0 = arith.constant 0 : i32
    %c0_i32_1 = arith.constant 0 : i32
    return %c0_i32, %c0_i32_0 : i32, i32
  }
  func.func @transform_5(%arg0: i32) -> (i32, i32) {
    %c0_i32 = arith.constant 0 : i32
    %c0_i32_0 = arith.constant 0 : i32
    %c0_i32_1 = arith.constant 0 : i32
    return %c0_i32, %c0_i32_0 : i32, i32
  }
}

module attributes {stable_mosaic.version = 14 : i64} {
  func.func @body(%arg0: memref<80x128xf32, #tpu.memory_space<vmem>>, %arg1: memref<80x128xf32, #tpu.memory_space<vmem>>, %arg2: memref<80x128xf32, #tpu.memory_space<vmem>>, %arg3: memref<80x128xf32, #tpu.memory_space<vmem>>) attributes {dimension_semantics = [], scalar_prefetch = 0 : i64, scratch_operands = 0 : i64, tpu.core_type = #tpu.core_type<tc>} {
    %get3A = arith.constant 0 : index
    %get3A_0 = arith.constant 0 : index
    %get3A_1 = vector.load %arg2[%get3A, %get3A_0] : memref<80x128xf32, #tpu.memory_space<vmem>>, vector<80x128xf32>
    %gt3A = arith.constant 0.000000e+00 : f32
    %gt3A_2 = vector.broadcast %gt3A : f32 to vector<80x128xf32>
    %gt3A_3 = arith.cmpf ogt, %get3A_1, %gt3A_2 : vector<80x128xf32>
    %broadcast_in_dim3A = arith.constant false
    %broadcast_in_dim3A_4 = vector.broadcast %broadcast_in_dim3A : i1 to vector<80x128xi1>
    %get3A_5 = arith.constant 0 : index
    %get3A_6 = arith.constant 0 : index
    %get3A_7 = vector.load %arg0[%get3A_5, %get3A_6] : memref<80x128xf32, #tpu.memory_space<vmem>>, vector<80x128xf32>
    %bitcast_convert_type3A = tpu.bitcast %get3A_7 : vector<80x128xf32> -> vector<80x128xi32>
    %lt3A = arith.constant -2147483648 : i32
    %lt3A_8 = vector.broadcast %lt3A : i32 to vector<80x128xi32>
    %lt3A_9 = arith.cmpi ult, %bitcast_convert_type3A, %lt3A_8 : vector<80x128xi32>
    %or3A = arith.constant -2147483648 : i32
    %or3A_10 = vector.broadcast %or3A : i32 to vector<80x128xi32>
    %or3A_11 = arith.ori %bitcast_convert_type3A, %or3A_10 : vector<80x128xi32>
    %not3A = arith.constant dense<-1> : vector<80x128xi32>
    %not3A_12 = arith.xori %bitcast_convert_type3A, %not3A : vector<80x128xi32>
    %select_n3A = arith.select %lt3A_9, %or3A_11, %not3A_12 : vector<80x128xi1>, vector<80x128xi32>
    %scan3A = arith.constant 2500 : i32
    %scan3A_13 = arith.constant 0 : i32
    %scan3A_14 = arith.constant 0 : i32
    %scan3A_15 = arith.constant 32 : i32
    %scan3A_16 = arith.addi %scan3A_14, %scan3A_15 : i32
    %scan3A_17 = arith.constant 1 : i32
    %scan3A_18 = scf.for %scan3A_82 = %scan3A_14 to %scan3A_16 step %scan3A_17 iter_args(%scan3A_83 = %scan3A_13) -> (i32)  : i32 {
      %sub3A_84 = arith.constant 31 : i32
      %sub3A_85 = arith.subi %sub3A_84, %scan3A_82 : i32
      %shift_left3A = arith.constant 1 : i32
      %shift_left3A_86 = arith.shli %shift_left3A, %sub3A_85 : i32
      %or3A_87 = arith.ori %scan3A_83, %shift_left3A_86 : i32
      %ge3A = vector.broadcast %or3A_87 : i32 to vector<80x128xi32>
      %ge3A_88 = arith.cmpi uge, %select_n3A, %ge3A : vector<80x128xi32>
      %and3A_89 = arith.andi %gt3A_3, %ge3A_88 : vector<80x128xi1>
      %convert_element_type3A_90 = arith.extui %and3A_89 : vector<80x128xi1> to vector<80x128xi32>
      %reduce_sum3A_91 = vector.shape_cast %convert_element_type3A_90 : vector<80x128xi32> to vector<1x80x128xi32>
      %reduce_sum3A_92 = arith.constant dense<0> : vector<1xi32>
      %reduce_sum3A_93 = vector.multi_reduction <add>, %reduce_sum3A_91, %reduce_sum3A_92 [1, 2] : vector<1x80x128xi32> to vector<1xi32>
      %reduce_sum3A_94 = vector.shape_cast %reduce_sum3A_93 : vector<1xi32> to vector<1x1x1xi32>
      %reduce_sum3A_95 = vector.extract %reduce_sum3A_94[0, 0, 0] : i32 from vector<1x1x1xi32>
      %ge3A_96 = arith.cmpi sge, %reduce_sum3A_95, %scan3A : i32
      %select_n3A_97 = arith.select %ge3A_96, %or3A_87, %scan3A_83 : i32
      scf.yield %select_n3A_97 : i32
    }
    %scan3A_19 = arith.constant 32 : i32
    %gt3A_20 = vector.broadcast %scan3A_18 : i32 to vector<80x128xi32>
    %gt3A_21 = arith.cmpi ugt, %select_n3A, %gt3A_20 : vector<80x128xi32>
    %and3A = arith.andi %gt3A_3, %gt3A_21 : vector<80x128xi1>
    %or3A_22 = arith.ori %broadcast_in_dim3A_4, %and3A : vector<80x128xi1>
    %convert_element_type3A = arith.extui %and3A : vector<80x128xi1> to vector<80x128xi32>
    %reduce_sum3A = vector.shape_cast %convert_element_type3A : vector<80x128xi32> to vector<1x80x128xi32>
    %reduce_sum3A_23 = arith.constant dense<0> : vector<1xi32>
    %reduce_sum3A_24 = vector.multi_reduction <add>, %reduce_sum3A, %reduce_sum3A_23 [1, 2] : vector<1x80x128xi32> to vector<1xi32>
    %reduce_sum3A_25 = vector.shape_cast %reduce_sum3A_24 : vector<1xi32> to vector<1x1x1xi32>
    %reduce_sum3A_26 = vector.extract %reduce_sum3A_25[0, 0, 0] : i32 from vector<1x1x1xi32>
    %sub3A = arith.constant 2500 : i32
    %sub3A_27 = arith.subi %sub3A, %reduce_sum3A_26 : i32
    %eq3A = vector.broadcast %scan3A_18 : i32 to vector<80x128xi32>
    %eq3A_28 = arith.cmpi eq, %select_n3A, %eq3A : vector<80x128xi32>
    %and3A_29 = arith.andi %gt3A_3, %eq3A_28 : vector<80x128xi1>
    %get3A_30 = arith.constant 0 : index
    %get3A_31 = arith.constant 0 : index
    %get3A_32 = vector.load %arg1[%get3A_30, %get3A_31] : memref<80x128xf32, #tpu.memory_space<vmem>>, vector<80x128xf32>
    %bitcast_convert_type3A_33 = tpu.bitcast %get3A_32 : vector<80x128xf32> -> vector<80x128xi32>
    %lt3A_34 = arith.constant -2147483648 : i32
    %lt3A_35 = vector.broadcast %lt3A_34 : i32 to vector<80x128xi32>
    %lt3A_36 = arith.cmpi ult, %bitcast_convert_type3A_33, %lt3A_35 : vector<80x128xi32>
    %or3A_37 = arith.constant -2147483648 : i32
    %or3A_38 = vector.broadcast %or3A_37 : i32 to vector<80x128xi32>
    %or3A_39 = arith.ori %bitcast_convert_type3A_33, %or3A_38 : vector<80x128xi32>
    %not3A_40 = arith.constant dense<-1> : vector<80x128xi32>
    %not3A_41 = arith.xori %bitcast_convert_type3A_33, %not3A_40 : vector<80x128xi32>
    %select_n3A_42 = arith.select %lt3A_36, %or3A_39, %not3A_41 : vector<80x128xi1>, vector<80x128xi32>
    %scan3A_43 = arith.constant 0 : i32
    %scan3A_44 = arith.constant 0 : i32
    %scan3A_45 = arith.constant 32 : i32
    %scan3A_46 = arith.addi %scan3A_44, %scan3A_45 : i32
    %scan3A_47 = arith.constant 1 : i32
    %scan3A_48 = scf.for %scan3A_82 = %scan3A_44 to %scan3A_46 step %scan3A_47 iter_args(%scan3A_83 = %scan3A_43) -> (i32)  : i32 {
      %sub3A_84 = arith.constant 31 : i32
      %sub3A_85 = arith.subi %sub3A_84, %scan3A_82 : i32
      %shift_left3A = arith.constant 1 : i32
      %shift_left3A_86 = arith.shli %shift_left3A, %sub3A_85 : i32
      %or3A_87 = arith.ori %scan3A_83, %shift_left3A_86 : i32
      %ge3A = vector.broadcast %or3A_87 : i32 to vector<80x128xi32>
      %ge3A_88 = arith.cmpi uge, %select_n3A_42, %ge3A : vector<80x128xi32>
      %and3A_89 = arith.andi %and3A_29, %ge3A_88 : vector<80x128xi1>
      %convert_element_type3A_90 = arith.extui %and3A_89 : vector<80x128xi1> to vector<80x128xi32>
      %reduce_sum3A_91 = vector.shape_cast %convert_element_type3A_90 : vector<80x128xi32> to vector<1x80x128xi32>
      %reduce_sum3A_92 = arith.constant dense<0> : vector<1xi32>
      %reduce_sum3A_93 = vector.multi_reduction <add>, %reduce_sum3A_91, %reduce_sum3A_92 [1, 2] : vector<1x80x128xi32> to vector<1xi32>
      %reduce_sum3A_94 = vector.shape_cast %reduce_sum3A_93 : vector<1xi32> to vector<1x1x1xi32>
      %reduce_sum3A_95 = vector.extract %reduce_sum3A_94[0, 0, 0] : i32 from vector<1x1x1xi32>
      %ge3A_96 = arith.cmpi sge, %reduce_sum3A_95, %sub3A_27 : i32
      %select_n3A_97 = arith.select %ge3A_96, %or3A_87, %scan3A_83 : i32
      scf.yield %select_n3A_97 : i32
    }
    %scan3A_49 = arith.constant 32 : i32
    %gt3A_50 = vector.broadcast %scan3A_48 : i32 to vector<80x128xi32>
    %gt3A_51 = arith.cmpi ugt, %select_n3A_42, %gt3A_50 : vector<80x128xi32>
    %and3A_52 = arith.andi %and3A_29, %gt3A_51 : vector<80x128xi1>
    %or3A_53 = arith.ori %or3A_22, %and3A_52 : vector<80x128xi1>
    %convert_element_type3A_54 = arith.extui %and3A_52 : vector<80x128xi1> to vector<80x128xi32>
    %reduce_sum3A_55 = vector.shape_cast %convert_element_type3A_54 : vector<80x128xi32> to vector<1x80x128xi32>
    %reduce_sum3A_56 = arith.constant dense<0> : vector<1xi32>
    %reduce_sum3A_57 = vector.multi_reduction <add>, %reduce_sum3A_55, %reduce_sum3A_56 [1, 2] : vector<1x80x128xi32> to vector<1xi32>
    %reduce_sum3A_58 = vector.shape_cast %reduce_sum3A_57 : vector<1xi32> to vector<1x1x1xi32>
    %reduce_sum3A_59 = vector.extract %reduce_sum3A_58[0, 0, 0] : i32 from vector<1x1x1xi32>
    %sub3A_60 = arith.subi %sub3A_27, %reduce_sum3A_59 : i32
    %eq3A_61 = vector.broadcast %scan3A_48 : i32 to vector<80x128xi32>
    %eq3A_62 = arith.cmpi eq, %select_n3A_42, %eq3A_61 : vector<80x128xi32>
    %and3A_63 = arith.andi %and3A_29, %eq3A_62 : vector<80x128xi1>
    %iota3A = tpu.iota {dimensions = array<i32: 0>} : vector<80x128xi32>
    %mul3A = arith.constant 128 : i32
    %mul3A_64 = vector.broadcast %mul3A : i32 to vector<80x128xi32>
    %mul3A_65 = arith.muli %iota3A, %mul3A_64 : vector<80x128xi32>
    %iota3A_66 = tpu.iota {dimensions = array<i32: 1>} : vector<80x128xi32>
    %add3A = arith.addi %mul3A_65, %iota3A_66 : vector<80x128xi32>
    %scan3A_67 = arith.constant 0 : i32
    %scan3A_68 = arith.constant 0 : i32
    %scan3A_69 = arith.constant 15 : i32
    %scan3A_70 = arith.addi %scan3A_68, %scan3A_69 : i32
    %scan3A_71 = arith.constant 1 : i32
    %scan3A_72 = scf.for %scan3A_82 = %scan3A_68 to %scan3A_70 step %scan3A_71 iter_args(%scan3A_83 = %scan3A_67) -> (i32)  : i32 {
      %sub3A_84 = arith.constant 14 : i32
      %sub3A_85 = arith.subi %sub3A_84, %scan3A_82 : i32
      %shift_left3A = arith.constant 1 : i32
      %shift_left3A_86 = arith.shli %shift_left3A, %sub3A_85 : i32
      %add3A_87 = arith.addi %scan3A_83, %shift_left3A_86 : i32
      %lt3A_88 = vector.broadcast %add3A_87 : i32 to vector<80x128xi32>
      %lt3A_89 = arith.cmpi slt, %add3A, %lt3A_88 : vector<80x128xi32>
      %and3A_90 = arith.andi %and3A_63, %lt3A_89 : vector<80x128xi1>
      %convert_element_type3A_91 = arith.extui %and3A_90 : vector<80x128xi1> to vector<80x128xi32>
      %reduce_sum3A_92 = vector.shape_cast %convert_element_type3A_91 : vector<80x128xi32> to vector<1x80x128xi32>
      %reduce_sum3A_93 = arith.constant dense<0> : vector<1xi32>
      %reduce_sum3A_94 = vector.multi_reduction <add>, %reduce_sum3A_92, %reduce_sum3A_93 [1, 2] : vector<1x80x128xi32> to vector<1xi32>
      %reduce_sum3A_95 = vector.shape_cast %reduce_sum3A_94 : vector<1xi32> to vector<1x1x1xi32>
      %reduce_sum3A_96 = vector.extract %reduce_sum3A_95[0, 0, 0] : i32 from vector<1x1x1xi32>
      %le3A = arith.cmpi sle, %reduce_sum3A_96, %sub3A_60 : i32
      %select_n3A_97 = arith.select %le3A, %add3A_87, %scan3A_83 : i32
      scf.yield %select_n3A_97 : i32
    }
    %scan3A_73 = arith.constant 15 : i32
    %lt3A_74 = vector.broadcast %scan3A_72 : i32 to vector<80x128xi32>
    %lt3A_75 = arith.cmpi slt, %add3A, %lt3A_74 : vector<80x128xi32>
    %and3A_76 = arith.andi %and3A_63, %lt3A_75 : vector<80x128xi1>
    %or3A_77 = arith.ori %or3A_53, %and3A_76 : vector<80x128xi1>
    %convert_element_type3A_78 = arith.extui %or3A_77 : vector<80x128xi1> to vector<80x128xi32>
    %convert_element_type3A_79 = arith.sitofp %convert_element_type3A_78 : vector<80x128xi32> to vector<80x128xf32>
    %swap3A = arith.constant 0 : index
    %swap3A_80 = arith.constant 0 : index
    %swap3A_81 = vector.load %arg3[%swap3A, %swap3A_80] : memref<80x128xf32, #tpu.memory_space<vmem>>, vector<80x128xf32>
    tpu.vector_store %arg3[%swap3A, %swap3A_80], %convert_element_type3A_79 {strides = array<i32>} : memref<80x128xf32, #tpu.memory_space<vmem>>, vector<80x128xf32>,
    return
  }
}

module attributes {stable_mosaic.version = 14 : i64} {
  func.func @body(%arg0: memref<80x128xf32, #tpu.memory_space<vmem>>, %arg1: memref<80x128xf32, #tpu.memory_space<vmem>>, %arg2: memref<80x128xf32, #tpu.memory_space<vmem>>, %arg3: memref<80x128xf32, #tpu.memory_space<vmem>>, %arg4: memref<80x128xf32, #tpu.memory_space<vmem>>) attributes {dimension_semantics = [], scalar_prefetch = 0 : i64, scratch_operands = 0 : i64, tpu.core_type = #tpu.core_type<tc>} {
    %get3A = arith.constant 0 : index
    %get3A_0 = arith.constant 0 : index
    %get3A_1 = vector.load %arg3[%get3A, %get3A_0] : memref<80x128xf32, #tpu.memory_space<vmem>>, vector<80x128xf32>
    %gt3A = arith.constant 0.000000e+00 : f32
    %gt3A_2 = vector.broadcast %gt3A : f32 to vector<80x128xf32>
    %gt3A_3 = arith.cmpf ogt, %get3A_1, %gt3A_2 : vector<80x128xf32>
    %broadcast_in_dim3A = arith.constant false
    %broadcast_in_dim3A_4 = vector.broadcast %broadcast_in_dim3A : i1 to vector<80x128xi1>
    %get3A_5 = arith.constant 0 : index
    %get3A_6 = arith.constant 0 : index
    %get3A_7 = vector.load %arg0[%get3A_5, %get3A_6] : memref<80x128xf32, #tpu.memory_space<vmem>>, vector<80x128xf32>
    %bitcast_convert_type3A = tpu.bitcast %get3A_7 : vector<80x128xf32> -> vector<80x128xi32>
    %lt3A = arith.constant -2147483648 : i32
    %lt3A_8 = vector.broadcast %lt3A : i32 to vector<80x128xi32>
    %lt3A_9 = arith.cmpi ult, %bitcast_convert_type3A, %lt3A_8 : vector<80x128xi32>
    %or3A = arith.constant -2147483648 : i32
    %or3A_10 = vector.broadcast %or3A : i32 to vector<80x128xi32>
    %or3A_11 = arith.ori %bitcast_convert_type3A, %or3A_10 : vector<80x128xi32>
    %not3A = arith.constant dense<-1> : vector<80x128xi32>
    %not3A_12 = arith.xori %bitcast_convert_type3A, %not3A : vector<80x128xi32>
    %select_n3A = arith.select %lt3A_9, %or3A_11, %not3A_12 : vector<80x128xi1>, vector<80x128xi32>
    %scan3A = arith.constant 1250 : i32
    %scan3A_13 = arith.constant 0 : i32
    %scan3A_14 = arith.constant 0 : i32
    %scan3A_15 = arith.constant 32 : i32
    %scan3A_16 = arith.addi %scan3A_14, %scan3A_15 : i32
    %scan3A_17 = arith.constant 1 : i32
    %scan3A_18 = scf.for %scan3A_116 = %scan3A_14 to %scan3A_16 step %scan3A_17 iter_args(%scan3A_117 = %scan3A_13) -> (i32)  : i32 {
      %sub3A_118 = arith.constant 31 : i32
      %sub3A_119 = arith.subi %sub3A_118, %scan3A_116 : i32
      %shift_left3A = arith.constant 1 : i32
      %shift_left3A_120 = arith.shli %shift_left3A, %sub3A_119 : i32
      %or3A_121 = arith.ori %scan3A_117, %shift_left3A_120 : i32
      %ge3A = vector.broadcast %or3A_121 : i32 to vector<80x128xi32>
      %ge3A_122 = arith.cmpi uge, %select_n3A, %ge3A : vector<80x128xi32>
      %and3A_123 = arith.andi %gt3A_3, %ge3A_122 : vector<80x128xi1>
      %convert_element_type3A_124 = arith.extui %and3A_123 : vector<80x128xi1> to vector<80x128xi32>
      %reduce_sum3A_125 = vector.shape_cast %convert_element_type3A_124 : vector<80x128xi32> to vector<1x80x128xi32>
      %reduce_sum3A_126 = arith.constant dense<0> : vector<1xi32>
      %reduce_sum3A_127 = vector.multi_reduction <add>, %reduce_sum3A_125, %reduce_sum3A_126 [1, 2] : vector<1x80x128xi32> to vector<1xi32>
      %reduce_sum3A_128 = vector.shape_cast %reduce_sum3A_127 : vector<1xi32> to vector<1x1x1xi32>
      %reduce_sum3A_129 = vector.extract %reduce_sum3A_128[0, 0, 0] : i32 from vector<1x1x1xi32>
      %ge3A_130 = arith.cmpi sge, %reduce_sum3A_129, %scan3A : i32
      %select_n3A_131 = arith.select %ge3A_130, %or3A_121, %scan3A_117 : i32
      scf.yield %select_n3A_131 : i32
    }
    %scan3A_19 = arith.constant 32 : i32
    %gt3A_20 = vector.broadcast %scan3A_18 : i32 to vector<80x128xi32>
    %gt3A_21 = arith.cmpi ugt, %select_n3A, %gt3A_20 : vector<80x128xi32>
    %and3A = arith.andi %gt3A_3, %gt3A_21 : vector<80x128xi1>
    %or3A_22 = arith.ori %broadcast_in_dim3A_4, %and3A : vector<80x128xi1>
    %convert_element_type3A = arith.extui %and3A : vector<80x128xi1> to vector<80x128xi32>
    %reduce_sum3A = vector.shape_cast %convert_element_type3A : vector<80x128xi32> to vector<1x80x128xi32>
    %reduce_sum3A_23 = arith.constant dense<0> : vector<1xi32>
    %reduce_sum3A_24 = vector.multi_reduction <add>, %reduce_sum3A, %reduce_sum3A_23 [1, 2] : vector<1x80x128xi32> to vector<1xi32>
    %reduce_sum3A_25 = vector.shape_cast %reduce_sum3A_24 : vector<1xi32> to vector<1x1x1xi32>
    %reduce_sum3A_26 = vector.extract %reduce_sum3A_25[0, 0, 0] : i32 from vector<1x1x1xi32>
    %sub3A = arith.constant 1250 : i32
    %sub3A_27 = arith.subi %sub3A, %reduce_sum3A_26 : i32
    %eq3A = vector.broadcast %scan3A_18 : i32 to vector<80x128xi32>
    %eq3A_28 = arith.cmpi eq, %select_n3A, %eq3A : vector<80x128xi32>
    %and3A_29 = arith.andi %gt3A_3, %eq3A_28 : vector<80x128xi1>
    %get3A_30 = arith.constant 0 : index
    %get3A_31 = arith.constant 0 : index
    %get3A_32 = vector.load %arg1[%get3A_30, %get3A_31] : memref<80x128xf32, #tpu.memory_space<vmem>>, vector<80x128xf32>
    %bitcast_convert_type3A_33 = tpu.bitcast %get3A_32 : vector<80x128xf32> -> vector<80x128xi32>
    %lt3A_34 = arith.constant -2147483648 : i32
    %lt3A_35 = vector.broadcast %lt3A_34 : i32 to vector<80x128xi32>
    %lt3A_36 = arith.cmpi ult, %bitcast_convert_type3A_33, %lt3A_35 : vector<80x128xi32>
    %or3A_37 = arith.constant -2147483648 : i32
    %or3A_38 = vector.broadcast %or3A_37 : i32 to vector<80x128xi32>
    %or3A_39 = arith.ori %bitcast_convert_type3A_33, %or3A_38 : vector<80x128xi32>
    %not3A_40 = arith.constant dense<-1> : vector<80x128xi32>
    %not3A_41 = arith.xori %bitcast_convert_type3A_33, %not3A_40 : vector<80x128xi32>
    %select_n3A_42 = arith.select %lt3A_36, %or3A_39, %not3A_41 : vector<80x128xi1>, vector<80x128xi32>
    %scan3A_43 = arith.constant 0 : i32
    %scan3A_44 = arith.constant 0 : i32
    %scan3A_45 = arith.constant 32 : i32
    %scan3A_46 = arith.addi %scan3A_44, %scan3A_45 : i32
    %scan3A_47 = arith.constant 1 : i32
    %scan3A_48 = scf.for %scan3A_116 = %scan3A_44 to %scan3A_46 step %scan3A_47 iter_args(%scan3A_117 = %scan3A_43) -> (i32)  : i32 {
      %sub3A_118 = arith.constant 31 : i32
      %sub3A_119 = arith.subi %sub3A_118, %scan3A_116 : i32
      %shift_left3A = arith.constant 1 : i32
      %shift_left3A_120 = arith.shli %shift_left3A, %sub3A_119 : i32
      %or3A_121 = arith.ori %scan3A_117, %shift_left3A_120 : i32
      %ge3A = vector.broadcast %or3A_121 : i32 to vector<80x128xi32>
      %ge3A_122 = arith.cmpi uge, %select_n3A_42, %ge3A : vector<80x128xi32>
      %and3A_123 = arith.andi %and3A_29, %ge3A_122 : vector<80x128xi1>
      %convert_element_type3A_124 = arith.extui %and3A_123 : vector<80x128xi1> to vector<80x128xi32>
      %reduce_sum3A_125 = vector.shape_cast %convert_element_type3A_124 : vector<80x128xi32> to vector<1x80x128xi32>
      %reduce_sum3A_126 = arith.constant dense<0> : vector<1xi32>
      %reduce_sum3A_127 = vector.multi_reduction <add>, %reduce_sum3A_125, %reduce_sum3A_126 [1, 2] : vector<1x80x128xi32> to vector<1xi32>
      %reduce_sum3A_128 = vector.shape_cast %reduce_sum3A_127 : vector<1xi32> to vector<1x1x1xi32>
      %reduce_sum3A_129 = vector.extract %reduce_sum3A_128[0, 0, 0] : i32 from vector<1x1x1xi32>
      %ge3A_130 = arith.cmpi sge, %reduce_sum3A_129, %sub3A_27 : i32
      %select_n3A_131 = arith.select %ge3A_130, %or3A_121, %scan3A_117 : i32
      scf.yield %select_n3A_131 : i32
    }
    %scan3A_49 = arith.constant 32 : i32
    %gt3A_50 = vector.broadcast %scan3A_48 : i32 to vector<80x128xi32>
    %gt3A_51 = arith.cmpi ugt, %select_n3A_42, %gt3A_50 : vector<80x128xi32>
    %and3A_52 = arith.andi %and3A_29, %gt3A_51 : vector<80x128xi1>
    %or3A_53 = arith.ori %or3A_22, %and3A_52 : vector<80x128xi1>
    %convert_element_type3A_54 = arith.extui %and3A_52 : vector<80x128xi1> to vector<80x128xi32>
    %reduce_sum3A_55 = vector.shape_cast %convert_element_type3A_54 : vector<80x128xi32> to vector<1x80x128xi32>
    %reduce_sum3A_56 = arith.constant dense<0> : vector<1xi32>
    %reduce_sum3A_57 = vector.multi_reduction <add>, %reduce_sum3A_55, %reduce_sum3A_56 [1, 2] : vector<1x80x128xi32> to vector<1xi32>
    %reduce_sum3A_58 = vector.shape_cast %reduce_sum3A_57 : vector<1xi32> to vector<1x1x1xi32>
    %reduce_sum3A_59 = vector.extract %reduce_sum3A_58[0, 0, 0] : i32 from vector<1x1x1xi32>
    %sub3A_60 = arith.subi %sub3A_27, %reduce_sum3A_59 : i32
    %eq3A_61 = vector.broadcast %scan3A_48 : i32 to vector<80x128xi32>
    %eq3A_62 = arith.cmpi eq, %select_n3A_42, %eq3A_61 : vector<80x128xi32>
    %and3A_63 = arith.andi %and3A_29, %eq3A_62 : vector<80x128xi1>
    %get3A_64 = arith.constant 0 : index
    %get3A_65 = arith.constant 0 : index
    %get3A_66 = vector.load %arg2[%get3A_64, %get3A_65] : memref<80x128xf32, #tpu.memory_space<vmem>>, vector<80x128xf32>
    %bitcast_convert_type3A_67 = tpu.bitcast %get3A_66 : vector<80x128xf32> -> vector<80x128xi32>
    %lt3A_68 = arith.constant -2147483648 : i32
    %lt3A_69 = vector.broadcast %lt3A_68 : i32 to vector<80x128xi32>
    %lt3A_70 = arith.cmpi ult, %bitcast_convert_type3A_67, %lt3A_69 : vector<80x128xi32>
    %or3A_71 = arith.constant -2147483648 : i32
    %or3A_72 = vector.broadcast %or3A_71 : i32 to vector<80x128xi32>
    %or3A_73 = arith.ori %bitcast_convert_type3A_67, %or3A_72 : vector<80x128xi32>
    %not3A_74 = arith.constant dense<-1> : vector<80x128xi32>
    %not3A_75 = arith.xori %bitcast_convert_type3A_67, %not3A_74 : vector<80x128xi32>
    %select_n3A_76 = arith.select %lt3A_70, %or3A_73, %not3A_75 : vector<80x128xi1>, vector<80x128xi32>
    %scan3A_77 = arith.constant 0 : i32
    %scan3A_78 = arith.constant 0 : i32
    %scan3A_79 = arith.constant 32 : i32
    %scan3A_80 = arith.addi %scan3A_78, %scan3A_79 : i32
    %scan3A_81 = arith.constant 1 : i32
    %scan3A_82 = scf.for %scan3A_116 = %scan3A_78 to %scan3A_80 step %scan3A_81 iter_args(%scan3A_117 = %scan3A_77) -> (i32)  : i32 {
      %sub3A_118 = arith.constant 31 : i32
      %sub3A_119 = arith.subi %sub3A_118, %scan3A_116 : i32
      %shift_left3A = arith.constant 1 : i32
      %shift_left3A_120 = arith.shli %shift_left3A, %sub3A_119 : i32
      %or3A_121 = arith.ori %scan3A_117, %shift_left3A_120 : i32
      %ge3A = vector.broadcast %or3A_121 : i32 to vector<80x128xi32>
      %ge3A_122 = arith.cmpi uge, %select_n3A_76, %ge3A : vector<80x128xi32>
      %and3A_123 = arith.andi %and3A_63, %ge3A_122 : vector<80x128xi1>
      %convert_element_type3A_124 = arith.extui %and3A_123 : vector<80x128xi1> to vector<80x128xi32>
      %reduce_sum3A_125 = vector.shape_cast %convert_element_type3A_124 : vector<80x128xi32> to vector<1x80x128xi32>
      %reduce_sum3A_126 = arith.constant dense<0> : vector<1xi32>
      %reduce_sum3A_127 = vector.multi_reduction <add>, %reduce_sum3A_125, %reduce_sum3A_126 [1, 2] : vector<1x80x128xi32> to vector<1xi32>
      %reduce_sum3A_128 = vector.shape_cast %reduce_sum3A_127 : vector<1xi32> to vector<1x1x1xi32>
      %reduce_sum3A_129 = vector.extract %reduce_sum3A_128[0, 0, 0] : i32 from vector<1x1x1xi32>
      %ge3A_130 = arith.cmpi sge, %reduce_sum3A_129, %sub3A_60 : i32
      %select_n3A_131 = arith.select %ge3A_130, %or3A_121, %scan3A_117 : i32
      scf.yield %select_n3A_131 : i32
    }
    %scan3A_83 = arith.constant 32 : i32
    %gt3A_84 = vector.broadcast %scan3A_82 : i32 to vector<80x128xi32>
    %gt3A_85 = arith.cmpi ugt, %select_n3A_76, %gt3A_84 : vector<80x128xi32>
    %and3A_86 = arith.andi %and3A_63, %gt3A_85 : vector<80x128xi1>
    %or3A_87 = arith.ori %or3A_53, %and3A_86 : vector<80x128xi1>
    %convert_element_type3A_88 = arith.extui %and3A_86 : vector<80x128xi1> to vector<80x128xi32>
    %reduce_sum3A_89 = vector.shape_cast %convert_element_type3A_88 : vector<80x128xi32> to vector<1x80x128xi32>
    %reduce_sum3A_90 = arith.constant dense<0> : vector<1xi32>
    %reduce_sum3A_91 = vector.multi_reduction <add>, %reduce_sum3A_89, %reduce_sum3A_90 [1, 2] : vector<1x80x128xi32> to vector<1xi32>
    %reduce_sum3A_92 = vector.shape_cast %reduce_sum3A_91 : vector<1xi32> to vector<1x1x1xi32>
    %reduce_sum3A_93 = vector.extract %reduce_sum3A_92[0, 0, 0] : i32 from vector<1x1x1xi32>
    %sub3A_94 = arith.subi %sub3A_60, %reduce_sum3A_93 : i32
    %eq3A_95 = vector.broadcast %scan3A_82 : i32 to vector<80x128xi32>
    %eq3A_96 = arith.cmpi eq, %select_n3A_76, %eq3A_95 : vector<80x128xi32>
    %and3A_97 = arith.andi %and3A_63, %eq3A_96 : vector<80x128xi1>
    %iota3A = tpu.iota {dimensions = array<i32: 0>} : vector<80x128xi32>
    %mul3A = arith.constant 128 : i32
    %mul3A_98 = vector.broadcast %mul3A : i32 to vector<80x128xi32>
    %mul3A_99 = arith.muli %iota3A, %mul3A_98 : vector<80x128xi32>
    %iota3A_100 = tpu.iota {dimensions = array<i32: 1>} : vector<80x128xi32>
    %add3A = arith.addi %mul3A_99, %iota3A_100 : vector<80x128xi32>
    %scan3A_101 = arith.constant 0 : i32
    %scan3A_102 = arith.constant 0 : i32
    %scan3A_103 = arith.constant 15 : i32
    %scan3A_104 = arith.addi %scan3A_102, %scan3A_103 : i32
    %scan3A_105 = arith.constant 1 : i32
    %scan3A_106 = scf.for %scan3A_116 = %scan3A_102 to %scan3A_104 step %scan3A_105 iter_args(%scan3A_117 = %scan3A_101) -> (i32)  : i32 {
      %sub3A_118 = arith.constant 14 : i32
      %sub3A_119 = arith.subi %sub3A_118, %scan3A_116 : i32
      %shift_left3A = arith.constant 1 : i32
      %shift_left3A_120 = arith.shli %shift_left3A, %sub3A_119 : i32
      %add3A_121 = arith.addi %scan3A_117, %shift_left3A_120 : i32
      %lt3A_122 = vector.broadcast %add3A_121 : i32 to vector<80x128xi32>
      %lt3A_123 = arith.cmpi slt, %add3A, %lt3A_122 : vector<80x128xi32>
      %and3A_124 = arith.andi %and3A_97, %lt3A_123 : vector<80x128xi1>
      %convert_element_type3A_125 = arith.extui %and3A_124 : vector<80x128xi1> to vector<80x128xi32>
      %reduce_sum3A_126 = vector.shape_cast %convert_element_type3A_125 : vector<80x128xi32> to vector<1x80x128xi32>
      %reduce_sum3A_127 = arith.constant dense<0> : vector<1xi32>
      %reduce_sum3A_128 = vector.multi_reduction <add>, %reduce_sum3A_126, %reduce_sum3A_127 [1, 2] : vector<1x80x128xi32> to vector<1xi32>
      %reduce_sum3A_129 = vector.shape_cast %reduce_sum3A_128 : vector<1xi32> to vector<1x1x1xi32>
      %reduce_sum3A_130 = vector.extract %reduce_sum3A_129[0, 0, 0] : i32 from vector<1x1x1xi32>
      %le3A = arith.cmpi sle, %reduce_sum3A_130, %sub3A_94 : i32
      %select_n3A_131 = arith.select %le3A, %add3A_121, %scan3A_117 : i32
      scf.yield %select_n3A_131 : i32
    }
    %scan3A_107 = arith.constant 15 : i32
    %lt3A_108 = vector.broadcast %scan3A_106 : i32 to vector<80x128xi32>
    %lt3A_109 = arith.cmpi slt, %add3A, %lt3A_108 : vector<80x128xi32>
    %and3A_110 = arith.andi %and3A_97, %lt3A_109 : vector<80x128xi1>
    %or3A_111 = arith.ori %or3A_87, %and3A_110 : vector<80x128xi1>
    %convert_element_type3A_112 = arith.extui %or3A_111 : vector<80x128xi1> to vector<80x128xi32>
    %convert_element_type3A_113 = arith.sitofp %convert_element_type3A_112 : vector<80x128xi32> to vector<80x128xf32>
    %swap3A = arith.constant 0 : index
    %swap3A_114 = arith.constant 0 : index
    %swap3A_115 = vector.load %arg4[%swap3A, %swap3A_114] : memref<80x128xf32, #tpu.memory_space<vmem>>, vector<80x128xf32>
    tpu.vector_store %arg4[%swap3A, %swap3A_114], %convert_element_type3A_113 {strides = array<i32>} : memref<80x128xf32, #tpu.memory_space<vmem>>, vector<80x128xf32>,
    return
  }
}

module attributes {stable_mosaic.version = 14 : i64} {
  func.func @_scale_body(%arg0: i32, %arg1: memref<1024x128xf32, #tpu.memory_space<vmem>>, %arg2: memref<1024x1xf32, #tpu.memory_space<vmem>>, %arg3: memref<1024x1xf32, #tpu.memory_space<vmem>>, %arg4: memref<1024x128xf32, #tpu.memory_space<vmem>>, %arg5: memref<1x128xf32, #tpu.memory_space<vmem>>, %arg6: memref<1x128xf32, #tpu.memory_space<vmem>>) attributes {dimension_semantics = [#tpu.dimension_semantics<arbitrary>], iteration_bounds = array<i64: 10>, scalar_prefetch = 0 : i64, scratch_operands = 0 : i64, tpu.core_type = #tpu.core_type<tc>, window_params = [{transform_indices = @transform_0, window_bounds = array<i64: 1024, 128>}, {transform_indices = @transform_1, window_bounds = array<i64: 1024, 1>}, {transform_indices = @transform_2, window_bounds = array<i64: 1024, 1>}, {transform_indices = @transform_3, window_bounds = array<i64: 1024, 128>}, {pipeline_mode = #tpu.pipeline_mode<synchronous>, transform_indices = @transform_4, window_bounds = array<i64: 1, 128>}, {pipeline_mode = #tpu.pipeline_mode<synchronous>, transform_indices = @transform_5, window_bounds = array<i64: 1, 128>}]} {
    %get3A = arith.constant 0 : index
    %get3A_0 = arith.constant 0 : index
    %get3A_1 = vector.load %arg1[%get3A, %get3A_0] : memref<1024x128xf32, #tpu.memory_space<vmem>>, vector<1024x128xf32>
    %get3A_2 = arith.constant 0 : index
    %get3A_3 = arith.constant 0 : index
    %get3A_4 = vector.load %arg2[%get3A_2, %get3A_3] : memref<1024x1xf32, #tpu.memory_space<vmem>>, vector<1024x1xf32>
    %mul3A = vector.broadcast %get3A_4 : vector<1024x1xf32> to vector<1024x128xf32>
    %mul3A_5 = arith.mulf %get3A_1, %mul3A : vector<1024x128xf32>
    %get3A_6 = arith.constant 0 : index
    %get3A_7 = arith.constant 0 : index
    %get3A_8 = vector.load %arg3[%get3A_6, %get3A_7] : memref<1024x1xf32, #tpu.memory_space<vmem>>, vector<1024x1xf32>
    %mul3A_9 = vector.broadcast %get3A_8 : vector<1024x1xf32> to vector<1024x128xf32>
    %mul3A_10 = arith.mulf %mul3A_5, %mul3A_9 : vector<1024x128xf32>
    %swap3A = arith.constant 0 : index
    %swap3A_11 = arith.constant 0 : index
    %swap3A_12 = vector.load %arg4[%swap3A, %swap3A_11] : memref<1024x128xf32, #tpu.memory_space<vmem>>, vector<1024x128xf32>
    tpu.vector_store %arg4[%swap3A, %swap3A_11], %mul3A_10 {strides = array<i32>} : memref<1024x128xf32, #tpu.memory_space<vmem>>, vector<1024x128xf32>,
    %get3A_13 = arith.constant 0 : index
    %get3A_14 = arith.constant 0 : index
    %get3A_15 = vector.load %arg3[%get3A_13, %get3A_14] : memref<1024x1xf32, #tpu.memory_space<vmem>>, vector<1024x1xf32>
    %gt3A = arith.constant 0.000000e+00 : f32
    %gt3A_16 = vector.broadcast %gt3A : f32 to vector<1024x1xf32>
    %gt3A_17 = arith.cmpf ogt, %get3A_15, %gt3A_16 : vector<1024x1xf32>
    %jit3A = arith.constant 0xFF800000 : f32
    %broadcast_in_dim3A = vector.shape_cast %gt3A_17 : vector<1024x1xi1> to vector<1024x1xi1>
    %broadcast_in_dim3A_18 = vector.broadcast %broadcast_in_dim3A : vector<1024x1xi1> to vector<1024x128xi1>
    %broadcast_in_dim3A_19 = vector.broadcast %jit3A : f32 to vector<1024x128xf32>
    %select_n3A = arith.select %broadcast_in_dim3A_18, %mul3A_10, %broadcast_in_dim3A_19 : vector<1024x128xi1>, vector<1024x128xf32>
    %reduce_max3A = arith.constant dense<0xFF800000> : vector<128xf32>
    %reduce_max3A_20 = vector.multi_reduction <maximumf>, %select_n3A, %reduce_max3A [0] : vector<1024x128xf32> to vector<128xf32>
    %broadcast_in_dim3A_21 = vector.shape_cast %reduce_max3A_20 : vector<128xf32> to vector<1x128xf32>
    %reduce_sum3A = arith.constant dense<0.000000e+00> : vector<128xf32>
    %reduce_sum3A_22 = vector.multi_reduction <add>, %mul3A_10, %reduce_sum3A [0] : vector<1024x128xf32> to vector<128xf32>
    %broadcast_in_dim3A_23 = vector.shape_cast %reduce_sum3A_22 : vector<128xf32> to vector<1x128xf32>
    %eq3A = arith.constant 0 : i32
    %eq3A_24 = arith.cmpi eq, %arg0, %eq3A : i32
    %convert_element_type3A = arith.extui %eq3A_24 : i1 to i32
    %cond3A = arith.constant 0 : i32
    %cond3A_25 = arith.cmpi ne, %convert_element_type3A, %cond3A : i32
    scf.if %cond3A_25 {
      %swap3A_31 = arith.constant 0 : index
      %swap3A_32 = arith.constant 0 : index
      %swap3A_33 = vector.load %arg5[%swap3A_31, %swap3A_32] : memref<1x128xf32, #tpu.memory_space<vmem>>, vector<1x128xf32>
      tpu.vector_store %arg5[%swap3A_31, %swap3A_32], %broadcast_in_dim3A_21 {strides = array<i32>} : memref<1x128xf32, #tpu.memory_space<vmem>>, vector<1x128xf32>,
      %swap3A_34 = arith.constant 0 : index
      %swap3A_35 = arith.constant 0 : index
      %swap3A_36 = vector.load %arg6[%swap3A_34, %swap3A_35] : memref<1x128xf32, #tpu.memory_space<vmem>>, vector<1x128xf32>
      tpu.vector_store %arg6[%swap3A_34, %swap3A_35], %broadcast_in_dim3A_23 {strides = array<i32>} : memref<1x128xf32, #tpu.memory_space<vmem>>, vector<1x128xf32>,
    } else {
    }
    %gt3A_26 = arith.constant 0 : i32
    %gt3A_27 = arith.cmpi sgt, %arg0, %gt3A_26 : i32
    %convert_element_type3A_28 = arith.extui %gt3A_27 : i1 to i32
    %cond3A_29 = arith.constant 0 : i32
    %cond3A_30 = arith.cmpi ne, %convert_element_type3A_28, %cond3A_29 : i32
    scf.if %cond3A_30 {
      %get3A_31 = arith.constant 0 : index
      %get3A_32 = arith.constant 0 : index
      %get3A_33 = vector.load %arg5[%get3A_31, %get3A_32] : memref<1x128xf32, #tpu.memory_space<vmem>>, vector<1x128xf32>
      %max3A = arith.maximumf %get3A_33, %broadcast_in_dim3A_21 : vector<1x128xf32>
      %swap3A_34 = arith.constant 0 : index
      %swap3A_35 = arith.constant 0 : index
      %swap3A_36 = vector.load %arg5[%swap3A_34, %swap3A_35] : memref<1x128xf32, #tpu.memory_space<vmem>>, vector<1x128xf32>
      tpu.vector_store %arg5[%swap3A_34, %swap3A_35], %max3A {strides = array<i32>} : memref<1x128xf32, #tpu.memory_space<vmem>>, vector<1x128xf32>,
      %get3A_37 = arith.constant 0 : index
      %get3A_38 = arith.constant 0 : index
      %get3A_39 = vector.load %arg6[%get3A_37, %get3A_38] : memref<1x128xf32, #tpu.memory_space<vmem>>, vector<1x128xf32>
      %add3A = arith.addf %get3A_39, %broadcast_in_dim3A_23 : vector<1x128xf32>
      %swap3A_40 = arith.constant 0 : index
      %swap3A_41 = arith.constant 0 : index
      %swap3A_42 = vector.load %arg6[%swap3A_40, %swap3A_41] : memref<1x128xf32, #tpu.memory_space<vmem>>, vector<1x128xf32>
      tpu.vector_store %arg6[%swap3A_40, %swap3A_41], %add3A {strides = array<i32>} : memref<1x128xf32, #tpu.memory_space<vmem>>, vector<1x128xf32>,
    } else {
    }
    return
  }
  func.func @transform_0(%arg0: i32) -> (i32, i32) {
    %c0_i32 = arith.constant 0 : i32
    %c0_i32_0 = arith.constant 0 : i32
    return %arg0, %c0_i32 : i32, i32
  }
  func.func @transform_1(%arg0: i32) -> (i32, i32) {
    %c0_i32 = arith.constant 0 : i32
    %c0_i32_0 = arith.constant 0 : i32
    return %arg0, %c0_i32 : i32, i32
  }
  func.func @transform_2(%arg0: i32) -> (i32, i32) {
    %c0_i32 = arith.constant 0 : i32
    %c0_i32_0 = arith.constant 0 : i32
    return %arg0, %c0_i32 : i32, i32
  }
  func.func @transform_3(%arg0: i32) -> (i32, i32) {
    %c0_i32 = arith.constant 0 : i32
    %c0_i32_0 = arith.constant 0 : i32
    return %arg0, %c0_i32 : i32, i32
  }
  func.func @transform_4(%arg0: i32) -> (i32, i32) {
    %c0_i32 = arith.constant 0 : i32
    %c0_i32_0 = arith.constant 0 : i32
    %c0_i32_1 = arith.constant 0 : i32
    return %c0_i32, %c0_i32_0 : i32, i32
  }
  func.func @transform_5(%arg0: i32) -> (i32, i32) {
    %c0_i32 = arith.constant 0 : i32
    %c0_i32_0 = arith.constant 0 : i32
    %c0_i32_1 = arith.constant 0 : i32
    return %c0_i32, %c0_i32_0 : i32, i32
  }
}

module attributes {stable_mosaic.version = 14 : i64} {
  func.func @_mlp_body(%arg0: memref<1x128xf32, #tpu.memory_space<vmem>>, %arg1: memref<1x128xf32, #tpu.memory_space<vmem>>, %arg2: memref<1x128xf32, #tpu.memory_space<vmem>>, %arg3: memref<1x128xf32, #tpu.memory_space<vmem>>, %arg4: memref<1x128xf32, #tpu.memory_space<vmem>>, %arg5: memref<1x128xf32, #tpu.memory_space<vmem>>, %arg6: memref<128x256xf32, #tpu.memory_space<vmem>>, %arg7: memref<1x128xf32, #tpu.memory_space<vmem>>, %arg8: memref<64x128xf32, #tpu.memory_space<vmem>>, %arg9: memref<1x64xf32, #tpu.memory_space<vmem>>, %arg10: memref<10x64xf32, #tpu.memory_space<vmem>>, %arg11: memref<1x10xf32, #tpu.memory_space<vmem>>, %arg12: memref<1x10xf32, #tpu.memory_space<vmem>>) attributes {dimension_semantics = [], scalar_prefetch = 0 : i64, scratch_operands = 0 : i64, tpu.core_type = #tpu.core_type<tc>} {
    %get3A = arith.constant 0 : index
    %get3A_0 = arith.constant 0 : index
    %get3A_1 = vector.load %arg0[%get3A, %get3A_0] : memref<1x128xf32, #tpu.memory_space<vmem>>, vector<1x128xf32>
    %get3A_2 = arith.constant 0 : index
    %get3A_3 = arith.constant 0 : index
    %get3A_4 = vector.load %arg1[%get3A_2, %get3A_3] : memref<1x128xf32, #tpu.memory_space<vmem>>, vector<1x128xf32>
    %mul3A = arith.constant 2.000000e-04 : f32
    %mul3A_5 = vector.broadcast %mul3A : f32 to vector<1x128xf32>
    %mul3A_6 = arith.mulf %get3A_4, %mul3A_5 : vector<1x128xf32>
    %concatenate3A = tpu.concatenate %get3A_1, %mul3A_6 in 1 : vector<1x128xf32>, vector<1x128xf32> -> vector<1x256xf32>
    %get3A_7 = arith.constant 0 : index
    %get3A_8 = arith.constant 0 : index
    %get3A_9 = vector.load %arg2[%get3A_7, %get3A_8] : memref<1x128xf32, #tpu.memory_space<vmem>>, vector<1x128xf32>
    %get3A_10 = arith.constant 0 : index
    %get3A_11 = arith.constant 0 : index
    %get3A_12 = vector.load %arg3[%get3A_10, %get3A_11] : memref<1x128xf32, #tpu.memory_space<vmem>>, vector<1x128xf32>
    %mul3A_13 = arith.constant 4.000000e-04 : f32
    %mul3A_14 = vector.broadcast %mul3A_13 : f32 to vector<1x128xf32>
    %mul3A_15 = arith.mulf %get3A_12, %mul3A_14 : vector<1x128xf32>
    %concatenate3A_16 = tpu.concatenate %get3A_9, %mul3A_15 in 1 : vector<1x128xf32>, vector<1x128xf32> -> vector<1x256xf32>
    %get3A_17 = arith.constant 0 : index
    %get3A_18 = arith.constant 0 : index
    %get3A_19 = vector.load %arg4[%get3A_17, %get3A_18] : memref<1x128xf32, #tpu.memory_space<vmem>>, vector<1x128xf32>
    %get3A_20 = arith.constant 0 : index
    %get3A_21 = arith.constant 0 : index
    %get3A_22 = vector.load %arg5[%get3A_20, %get3A_21] : memref<1x128xf32, #tpu.memory_space<vmem>>, vector<1x128xf32>
    %mul3A_23 = arith.constant 8.000000e-04 : f32
    %mul3A_24 = vector.broadcast %mul3A_23 : f32 to vector<1x128xf32>
    %mul3A_25 = arith.mulf %get3A_22, %mul3A_24 : vector<1x128xf32>
    %concatenate3A_26 = tpu.concatenate %get3A_19, %mul3A_25 in 1 : vector<1x128xf32>, vector<1x128xf32> -> vector<1x256xf32>
    %add3A = arith.addf %concatenate3A, %concatenate3A_16 : vector<1x256xf32>
    %add3A_27 = arith.addf %add3A, %concatenate3A_26 : vector<1x256xf32>
    %get3A_28 = arith.constant 0 : index
    %get3A_29 = arith.constant 0 : index
    %get3A_30 = vector.load %arg6[%get3A_28, %get3A_29] : memref<128x256xf32, #tpu.memory_space<vmem>>, vector<128x256xf32>
    %dot_general3A = arith.constant dense<0.000000e+00> : vector<1x128xf32>
    %dot_general3A_31 = tpu.matmul %add3A_27, %get3A_30, %dot_general3A {dimension_numbers = #tpu.dot_dimension_numbers<[1], [1], [0], [0], [0, 0, 1, 0], [], []>, transpose_lhs_hint = false} : vector<1x256xf32>, vector<128x256xf32>, vector<1x128xf32> -> vector<1x128xf32>
    %get3A_32 = arith.constant 0 : index
    %get3A_33 = arith.constant 0 : index
    %get3A_34 = vector.load %arg7[%get3A_32, %get3A_33] : memref<1x128xf32, #tpu.memory_space<vmem>>, vector<1x128xf32>
    %add3A_35 = arith.addf %dot_general3A_31, %get3A_34 : vector<1x128xf32>
    %max3A = arith.constant 0.000000e+00 : f32
    %max3A_36 = vector.broadcast %max3A : f32 to vector<1x128xf32>
    %max3A_37 = arith.maximumf %add3A_35, %max3A_36 : vector<1x128xf32>
    %get3A_38 = arith.constant 0 : index
    %get3A_39 = arith.constant 0 : index
    %get3A_40 = vector.load %arg8[%get3A_38, %get3A_39] : memref<64x128xf32, #tpu.memory_space<vmem>>, vector<64x128xf32>
    %dot_general3A_41 = arith.constant dense<0.000000e+00> : vector<1x64xf32>
    %dot_general3A_42 = tpu.matmul %max3A_37, %get3A_40, %dot_general3A_41 {dimension_numbers = #tpu.dot_dimension_numbers<[1], [1], [0], [0], [0, 0, 1, 0], [], []>, transpose_lhs_hint = false} : vector<1x128xf32>, vector<64x128xf32>, vector<1x64xf32> -> vector<1x64xf32>
    %get3A_43 = arith.constant 0 : index
    %get3A_44 = arith.constant 0 : index
    %get3A_45 = vector.load %arg9[%get3A_43, %get3A_44] : memref<1x64xf32, #tpu.memory_space<vmem>>, vector<1x64xf32>
    %add3A_46 = arith.addf %dot_general3A_42, %get3A_45 : vector<1x64xf32>
    %max3A_47 = arith.constant 0.000000e+00 : f32
    %max3A_48 = vector.broadcast %max3A_47 : f32 to vector<1x64xf32>
    %max3A_49 = arith.maximumf %add3A_46, %max3A_48 : vector<1x64xf32>
    %get3A_50 = arith.constant 0 : index
    %get3A_51 = arith.constant 0 : index
    %get3A_52 = vector.load %arg10[%get3A_50, %get3A_51] : memref<10x64xf32, #tpu.memory_space<vmem>>, vector<10x64xf32>
    %dot_general3A_53 = arith.constant dense<0.000000e+00> : vector<1x10xf32>
    %dot_general3A_54 = tpu.matmul %max3A_49, %get3A_52, %dot_general3A_53 {dimension_numbers = #tpu.dot_dimension_numbers<[1], [1], [0], [0], [0, 0, 1, 0], [], []>, transpose_lhs_hint = false} : vector<1x64xf32>, vector<10x64xf32>, vector<1x10xf32> -> vector<1x10xf32>
    %get3A_55 = arith.constant 0 : index
    %get3A_56 = arith.constant 0 : index
    %get3A_57 = vector.load %arg11[%get3A_55, %get3A_56] : memref<1x10xf32, #tpu.memory_space<vmem>>, vector<1x10xf32>
    %add3A_58 = arith.addf %dot_general3A_54, %get3A_57 : vector<1x10xf32>
    %swap3A = arith.constant 0 : index
    %swap3A_59 = arith.constant 0 : index
    %swap3A_60 = vector.load %arg12[%swap3A, %swap3A_59] : memref<1x10xf32, #tpu.memory_space<vmem>>, vector<1x10xf32>
    tpu.vector_store %arg12[%swap3A, %swap3A_59], %add3A_58 {strides = array<i32>} : memref<1x10xf32, #tpu.memory_space<vmem>>, vector<1x10xf32>,
    return
  }
}

</mosaic_0001>

<sc_bundles>
// kernel: kernel.15.cloned.1.call-start
scs
__scs_entry_jumppad:
0x0: {  	(pc) =	sbr.rel $0x88, $3  }
0x1: {  	(tag) =	ssettag $0x0;
	lr =	simm.s32 $0x1  }
0x2: {  	[smem:$0x3F8D] =	sst lr;
	_ =	strace $0xD0000000  }
0x3: {  	_ = 	snop  }
0x4: {  	_ = 	snop  }
0x5: {  	_ = 	snop  }
0x6: {  	_ = 	snop  }
0x7: {  	_ = 	snop  }
__scs_overlays_trampoline_lowered:
0x8: {  	[smem:$0x3F9C] =	sst s0  }
0x9: {  	[smem:$0x3F9D] =	sst s1  }
0xa: {  	[smem:$0x3F9E] =	sst s2  }
0xb: {  	[smem:$0x3F9F] =	sst s3  }
0xc: {  	[smem:$0x3FA0] =	sst s4  }
0xd: {  	[smem:$0x3FA1] =	sst s5  }
0xe: {  	[smem:$0x3FA2] =	sst s6  }
0xf: {  	[smem:$0x3FA3] =	sst s7  }
0x10: {  	[smem:$0x3FA4] =	sst s8  }
0x11: {  	[smem:$0x3FA5] =	sst s9;
	s0 =	simm.s32 @!p0 $0x0  }
0x12: {  	s1 =	sld [smem:$0x3F8B];
	s0 =	simm.s32 @p0 $0x1  }
0x13: {  	[smem:$0x3FA6] =	sst s0;
	s0 =	simm.s32 @!p1 $0x0  }
0x14: {  	s2 =	sld [smem:$0x3F8A];
	s0 =	simm.s32 @p1 $0x1  }
0x15: {  	[smem:$0x3FA7] =	sst s0;
	s0 =	simm.s32 @!p2 $0x0  }
0x16: {  	s3 =	sld [smem:$0x3FDB];
	s0 =	simm.s32 @p2 $0x1  }
0x17: {  	s4 =	simm.s32 $0x1BF5;
	[smem:$0x3FA9] =	sst s0  }
0x18: {  	s0 =	sld [smem:$0x3F8C];
	_ =	swait.ge [sflag:s4], $0x0  }
0x19: {  	s7 =	sld [smem:$0x3F8D]  }
0x1a: {  	s8 =	sadd.s32 $0xFFFFE003, lr  }
0x1b: {  	s9 =	sadd.s32 $0xFFFFFEF7, lr;
	s5 =	simm.s32 $0xFFFFFFFF;
	p2 =	slt.u32 s8, $0xFFFFF086  }
0x1c: {  	p1 =	slt.u32 s9, $0xF7A;
	s5 =	simm.s32 @!p2 $0x0  }
0x1d: {  	s5 =	simm.s32 @p1 $0x1;
	p0 =	seq.s32 s7, s2  }
0x1e: {  	s7 =	smul.u32 @!p0 $0xF7A, s2;
	p2 =	seq.s32 @!p0 s5, $0x0  }
0x1f: {  	s9 =	smul.u32 $0xF7A, s1;
	s8 =	simm.s32 @!p0 $0x1BF5;
	p2 =	por !p2, p0  }
0x20: {  	[sflag:s8] =	ssyncset.s32 @!p0 $0xFFFFF086;
	s6 =	sadd.s32 @!p0 s3, s7;
	s7 =	simm.s32 @!p0 $0x108  }
0x21: {  	s3 =	sadd.s32 s3, s9;
	s6 =	sadd.s32 @!p0 $0x88, s6;
	s7 =	simm.s32 @p2 $0x1082  }
0x22: {  	[simem:s7], [sflag:s8] =	dma.local @!p0 [hbm:s6], $0xF7A  }
0x23: {  	s9 =	sor.u32 $0xD0000000, s2;
	s6 =	simm.s32 $0x108;
	_ =	swait.ge @!p0 [sflag:s8], $0x0  }
0x24: {  	s3 =	sadd.s32 $0x88, s3;
	s6 =	simm.s32 @!p1 $0x1082;
	[sflag:s4] =	ssyncset.s32 $0xFFFFF086  }
0x25: {  	[simem:s6], [sflag:s4] =	dma.local [hbm:s3], $0xF7A  }
0x26: {  	[smem:$0x3F8D] =	sst s1;
	(tag) =	ssettag s2;
	_ =	strace s9  }
0x27: {  	s1 =	sld [smem:$0x3F9D]  }
0x28: {  	s2 =	sld [smem:$0x3F9E]  }
0x29: {  	s4 =	sld [smem:$0x3FA0]  }
0x2a: {  	p0 =	seq.s32 s5, $0x0;
	s5 =	sld [smem:$0x3FA1]  }
0x2b: {  	s6 =	sld [smem:$0x3FA2]  }
0x2c: {  	s7 =	sld [smem:$0x3FA3]  }
0x2d: {  	s3 =	simm.s32 $0x108;
	s8 =	sld [smem:$0x3FA4]  }
0x2e: {  	s3 =	simm.s32 @!p0 $0x1082;
	s9 =	sld [smem:$0x3FA5]  }
0x2f: {  	lr =	sadd.s32 s0, s3;
	s0 =	sld [smem:$0x3F9C]  }
0x30: {  	s3 =	sld [smem:$0x3F9F]  }
0x31: {  	[smem:$0x3FA8] =	sst s10  }
0x32: {  	s10 =	sld [smem:$0x3FA6];
	_ =	sdelay $0x3  }
0x33: {  	p0 =	seq.s32 s10, $0x1;
	s10 =	sld [smem:$0x3FA8];
	_ =	sdelay $0x3  }
0x34: {  	[smem:$0x3FA8] =	sst s10  }
0x35: {  	s10 =	sld [smem:$0x3FA7];
	_ =	sdelay $0x3  }
0x36: {  	p1 =	seq.s32 s10, $0x1;
	s10 =	sld [smem:$0x3FA8];
	_ =	sdelay $0x3  }
0x37: {  	[smem:$0x3FA8] =	sst s10  }
0x38: {  	s10 =	sld [smem:$0x3FA9]  }
0x39: {  	_ = 	snop;
	(pc) =	sbr.ind lr, $3  }
0x3a: {  	_ = 	snop  }
0x3b: {  	_ = 	snop  }
0x3c: {  	p2 =	seq.s32 s10, $0x1;
	s10 =	sld [smem:$0x3FA8]  }
0x3d: {  	_ =	shalt  }
0x3e: {  	_ =	shalt  }
0x3f: {  	_ =	shalt  }
0x40: {  	_ =	shalt  }
0x41: {  	_ =	shalt  }
0x42: {  	_ =	shalt  }
0x43: {  	_ =	shalt  }
0x44: {  	_ =	shalt  }
0x45: {  	_ =	shalt  }
0x46: {  	_ =	shalt  }
0x47: {  	_ =	shalt  }
0x48: {  	_ =	shalt  }
0x49: {  	_ =	shalt  }
0x4a: {  	_ =	shalt  }
0x4b: {  	_ =	shalt  }
0x4c: {  	_ =	shalt  }
0x4d: {  	_ =	shalt  }
0x4e: {  	_ =	shalt  }
0x4f: {  	_ =	shalt  }
0x50: {  	_ =	shalt  }
0x51: {  	_ =	shalt  }
0x52: {  	_ =	shalt  }
0x53: {  	_ =	shalt  }
0x54: {  	_ =	shalt  }
0x55: {  	_ =	shalt  }
0x56: {  	_ =	shalt  }
0x57: {  	_ =	shalt  }
0x58: {  	_ =	shalt  }
0x59: {  	_ =	shalt  }
0x5a: {  	_ =	shalt  }
0x5b: {  	_ =	shalt  }
0x5c: {  	_ =	shalt  }
0x5d: {  	_ =	shalt  }
0x5e: {  	_ =	shalt  }
0x5f: {  	_ =	shalt  }
0x60: {  	_ =	shalt  }
0x61: {  	_ =	shalt  }
0x62: {  	_ =	shalt  }
0x63: {  	_ =	shalt  }
0x64: {  	_ =	shalt  }
0x65: {  	_ =	shalt  }
0x66: {  	_ =	shalt  }
0x67: {  	_ =	shalt  }
0x68: {  	_ =	shalt  }
0x69: {  	_ =	shalt  }
0x6a: {  	_ =	shalt  }
0x6b: {  	_ =	shalt  }
0x6c: {  	_ =	shalt  }
0x6d: {  	_ =	shalt  }
0x6e: {  	_ =	shalt  }
0x6f: {  	_ =	shalt  }
0x70: {  	_ =	shalt  }
0x71: {  	_ =	shalt  }
0x72: {  	_ =	shalt  }
0x73: {  	_ =	shalt  }
0x74: {  	_ =	shalt  }
0x75: {  	_ =	shalt  }
0x76: {  	_ =	shalt  }
0x77: {  	_ =	shalt  }
0x78: {  	_ =	shalt  }
0x79: {  	_ =	shalt  }
0x7a: {  	_ =	shalt  }
0x7b: {  	_ =	shalt  }
0x7c: {  	_ =	shalt  }
0x7d: {  	_ =	shalt  }
0x7e: {  	_ =	shalt  }
0x7f: {  	_ =	shalt  }
0x80: {  	_ =	shalt  }
0x81: {  	_ =	shalt  }
0x82: {  	_ =	shalt  }
0x83: {  	_ =	shalt  }
0x84: {  	_ =	shalt  }
0x85: {  	_ =	shalt  }
0x86: {  	_ =	shalt  }
0x87: {  	_ =	shalt  }
.Lfunc_end0:
.L_simem_size_0:
called_computation_lowered:
.L_overlay_start_0:
0x88: {  	s2 =	sld [smem:$0x3FD9]  }
0x89: {  	s3 =	sld [smem:$0x3FFE];
	_ =	sdelay $0x1  }
0x8a: {  	s1 =	srdreg.scid  }
0x8b: {  	s0 =	sand.u32 $0x1, s1  }
0x8c: {  	s16 =	sshll.u32 s0, $0xA;
	s2 =	sadd.s32 s3, s2  }
0x8d: {  	s2 =	sadd.s32 s2, s16  }
0x8e: {  	[smem:$0x3FB4] =	sst s2  }
0x8f: {  	_ = 	snop  }
0x90: {  	(tm) =	ssettm $0x1  }
0x91: {  	s17 =	sld [smem:$0x3FFB];
	_ =	sdelay $0x3  }
0x92: {  	_ =	strace s17  }
0x93: {  	s2 =	sld [smem:$0x3FFC];
	_ =	sdelay $0x3  }
0x94: {  	_ =	strace s2  }
0x95: {  	s2 =	sld [smem:$0x3FFD];
	_ =	sdelay $0x3  }
0x96: {  	_ =	strace s2  }
0x97: {  	_ =	strace $0x8FFFFFFF  }
0x98: {  	s18 =	sld [smem:$0x3FDB];
	_ =	sdelay $0x1  }
0x99: {  	s19 =	simm.s32 $_scs_section_size  }
0x9a: {  	s4 =	simm.s32 $_size__tile_overlayer_lowered;
	s5 =	simm.s32 $_tile_overlayer_lowered  }
0x9b: {  	s22 =	simm.s32 $0x1BFF;
	s21 =	sshll.u32 s5, $0x1;
	s2 =	sadd.s32 s19, s18  }
0x9c: {  	s6 =	simm.s32 $0x0;
	s20 =	sshll.u32 s4, $0x1;
	s4 =	sadd.s32 s21, s2  }
0x9d: {  	[timem:s6], [sflag:s22] =	dma.local [hbm:s4], s20  }
0x9e: {  	_ =	swait.ge [sflag:s22], s20  }
0x9f: {  	s3 =	ssub.s32 $0x0, s20;
	[sflag:s22] =	ssyncset.done $0x0  }
0xa0: {  	[sflag:s22] =	ssyncadd.s32 s3;
	_ =	sdelay $0x1  }
0xa1: {  	s23 =	simm.s32 $0x1B8B  }
0xa2: {  	_ =	swait.ge [sflag:s23], $0x1  }
0xa3: {  	[sflag:s23] =	ssyncset.done $0x0  }
0xa4: {  	s25 =	simm.s32 $0x1B8E;
	s24 =	sld [smem:$0x3FFE];
	[sflag:s23] =	ssyncadd.s32 $0xFFFFFFFF  }
0xa5: {  	s26 =	simm.s32 $execute0_lowered;
	[smem:$0x3FD2] =	sst s25  }
0xa6: {  	s4 =	sshll.u32 s26, $0x1;
	_ =	strace $0x80000046;
	[dreg:$0x1] =	wrdreg $0xFFFFFFFF  }
0xa7: {  	s28 =	simm.s32 $_size_execute0_lowered;
	s2 =	sadd.s32 s2, s4;
	[dreg:$0x0] =	wrdreg $0x0  }
0xa8: {  	s4 =	sshll.u32 s28, $0x1;
	[dreg:$0x2] =	wrdreg s2  }
0xa9: {  	[dreg:$0x3] =	wrdreg s4  }
0xaa: {  	[dreg:$0x4] =	wrdreg $0xC0  }
0xab: {  	_ =	task [dreg:s6], $0x5FFFF  }
0xac: {  	[dreg:$0x1] =	wrdreg $0xFFFFFFFF  }
0xad: {  	[dreg:$0x0] =	wrdreg $0x60  }
0xae: {  	[dreg:$0x2] =	wrdreg s24  }
0xaf: {  	[dreg:$0x3] =	wrdreg $0x41000  }
0xb0: {  	[dreg:$0x4] =	wrdreg $0x9  }
0xb1: {  	_ =	task.clear_ibuf [dreg:s6], $0x5FFFF;
	_ =	strace $0x90000046  }
0xb2: {  	s29 =	simm.s32 $0x9;
	_ =	strace $0x80000048  }
0xb3: {  	_ =	swait.ge [sflag:s29], $0x1  }
0xb4: {  	[sflag:s29] =	ssyncadd.s32 $0xFFFFFFFF  }
0xb5: {  	_ =	strace $0x90000048  }
0xb6: {  	_ =	sfence  }
0xb7: {  	s30 =	sld [smem:$0x0];
	_ =	sdelay $0x2  }
0xb8: {  	s31 =	sshll.u32 s1, $0xD;
	s1 =	sshrl.u32 s1, $0x2  }
0xb9: {  	s3 =	sand.u32 $0x4000, s31;
	s1 =	sadd.s32 s1, s30  }
0xba: {  	s0 =	sor.u32 s3, s0;
	s1 =	sshll.u32 s1, $0x11  }
0xbb: {  	s0 =	sor.u32 s1, s0  }
0xbc: {  	s0 =	sadd.s32 $0x8F2B, s0  }
0xbd: {  	[sflag:s0] =	ssyncadd.remote.s32 $0x1  }
0xbe: {  	_ =	sfence.sel $0xFFFF  }
0xbf: {  	[dreg:$0x0] =	wrdreg $0xFFFFFFFF;
	(pc) =	sbr.abs _section_cstart, $3  }
0xc0: {  	[dreg:$0x1] =	wrdreg $0xFFFFFFFF  }
0xc1: {  	_ =	task.clear_ibuf [dreg:s6], $0x2FFFF;
	_ =	strace $0x9FFFFFFF  }
0xc2: {  	(tm) =	ssettm $0x7FFFFFFF  }
0xc3: {  	_ =	shalt  }
tec
execute0_lowered:
.L_overlay_start_1:
0x0: {  	(tag) =	ssettag $0x1  }
0x1: {  	s0 =	rddreg [dreg:$0x0]  }
0x2: {  	s2 =	srdreg.scid;
	s1 =	rddreg [dreg:$0x1]  }
0x3: {  	s3 =	simm.s32 $0x5F;
	s4 =	simm.s32 $0x0;
	s28 =	simm.s32 $0x1  }
0x4: {  	s29 =	simm.s32 $0x0;
	s13 =	sand.u32 $0x1, s2;
	s2 =	stileid.u32  }
0x5: {  	[smem:$0x7FF] =	sst s4;
	s5 =	sadd.s32 $0x3400, s0;
	s14 =	smul.u32 $0x280, s2  }
0x6: {  	p0 =	seq.s32 s13, $0x0;
	_ =	strace $0x80000047;
	s16 =	smul.u32 $0x2800, s13  }
0x7: {  	s7 =	ssub.s32 $0x2, s13;
	s9 =	smul.u32 $0x50000, s2;
	s22 =	sshll.u32 s2, $0x6  }
0x8: {  	s30 =	smul.u32 $0xBE00, s13;
	s3 =	simm.s32 @!p0 $0x3F;
	s8 =	sshrl.u32 s7, $0x1  }
0x9: {  	s6 =	smul.u32 s2, s3;
	s10 =	ssub.s32 s7, s8;
	s20 =	sadd.s32 s16, s14  }
0xa: {  	s21 =	sshrl.u32 s9, $0x2;
	s8 =	sor.u32 $0x1C02, s22;
	s23 =	sadd.s32 $0x80, s14  }
0xb: {  	s24 =	sadd.s32 $0x100, s14;
	s11 =	sshll.u32 s20, $0x4;
	s7 =	sadd.s32 s21, s1  }
0xc: {  	s10 =	smax.u32 s10, $0x1;
	s12 =	sadd.s32 s16, s23;
	s21 =	sshll.u32 s24, $0x7  }
0xd: {  	s6 =	sshll.u32 s6, $0x5;
	s17 =	sadd.s32 $0x4000, s7;
	s18 =	sadd.s32 $0x8000, s7  }
0xe: {  	s19 =	sadd.s32 $0xC000, s7;
	s20 =	sadd.s32 $0x10000, s7;
	s12 =	sshll.u32 s12, $0x4  }
0xf: {  	s15 =	sadd.s32 s6, s0;
	s6 =	sadd.s32 $0x3F000, s0;
	s0 =	sadd.s32 $0x3F800, s0  }
0x10: {  	s17 =	sshrl.u32 s17, $0x3;
	s18 =	sshrl.u32 s18, $0x3;
	s19 =	sshrl.u32 s19, $0x3  }
0x11: {  	s20 =	sshrl.u32 s20, $0x3;
	s9 =	sadd.s32 s0, s11;
	s11 =	sshll.u32 s23, $0x7  }
0x12: {  	s23 =	sadd.s32 $0x180, s14;
	s14 =	sadd.s32 $0x200, s14;
	s15 =	sadd.s32 s30, s15  }
0x13: {  	s22 =	sadd.s32 s11, s1;
	s11 =	sadd.s32 s0, s12;
	s12 =	sadd.s32 s16, s24  }
0x14: {  	s24 =	sadd.s32 s21, s1;
	s25 =	sshll.u32 s23, $0x7;
	s26 =	sadd.s32 s16, s23  }
0x15: {  	s16 =	sadd.s32 s16, s14;
	s14 =	sshll.u32 s14, $0x7;
	s12 =	sshll.u32 s12, $0x4  }
0x16: {  	s25 =	sadd.s32 s25, s1;
	s21 =	sshll.u32 s26, $0x4;
	s26 =	sadd.s32 s14, s1  }
0x17: {  	s31 =	sshll.u32 s16, $0x4;
	s16 =	simm.s32 $0x2;
	s22 =	sshrl.u32 s22, $0x3  }
0x18: {  	s23 =	sshrl.u32 s24, $0x3;
	s12 =	sadd.s32 s0, s12;
	s13 =	sadd.s32 s0, s21  }
0x19: {  	s14 =	sadd.s32 s0, s31;
	s0 =	sadd.s32 $0x2B400, s15;
	s21 =	simm.s32 $0x80  }
0x1a: {  	s24 =	sshrl.u32 s25, $0x3;
	s25 =	sshrl.u32 s26, $0x3;
	s26 =	simm.s32 $0x100  }
.LBB2_1:
0x1b: {  	s30 =	sshrl.u32 s7, $0x3  }
0x1c: {  	[spmem:s30], [sflag:s8] =	dma.local [hbm:s6], $0x800  }
0x1d: {  	_ =	swait.ge [sflag:s16], $0x800  }
0x1e: {  	[sflag:s16] =	ssyncset.done $0x0  }
0x1f: {  	[sflag:s16] =	ssyncadd.s32 $0xFFFFF800  }
0x20: {  	[spmem:s17], [sflag:s8] =	dma.local [hbm:s6], $0x800  }
0x21: {  	_ =	swait.ge [sflag:s16], $0x800  }
0x22: {  	[sflag:s16] =	ssyncset.done $0x0  }
0x23: {  	[sflag:s16] =	ssyncadd.s32 $0xFFFFF800  }
0x24: {  	[spmem:s18], [sflag:s8] =	dma.local [hbm:s6], $0x800  }
0x25: {  	_ =	swait.ge [sflag:s16], $0x800  }
0x26: {  	[sflag:s16] =	ssyncset.done $0x0  }
0x27: {  	[sflag:s16] =	ssyncadd.s32 $0xFFFFF800  }
0x28: {  	[spmem:s19], [sflag:s8] =	dma.local [hbm:s6], $0x800  }
0x29: {  	_ =	swait.ge [sflag:s16], $0x800  }
0x2a: {  	[sflag:s16] =	ssyncset.done $0x0  }
0x2b: {  	[sflag:s16] =	ssyncadd.s32 $0xFFFFF800  }
0x2c: {  	[spmem:s20], [sflag:s8] =	dma.local [hbm:s6], $0x800  }
0x2d: {  	_ =	swait.ge [sflag:s16], $0x800  }
0x2e: {  	[sflag:s16] =	ssyncset.done $0x0  }
0x2f: {  	[sflag:s16] =	ssyncadd.s32 $0xFFFFF800  }
0x30: {  	[bflag:$0x0] =	sbarrier.arrive $0xFFFF  }
0x31: {  	[tilespmem:s4], [sflag:$0x2] =	stream.linear.gather [hbm4b:s0+s4], $0x100, $0x38;
	[tilespmem:$0x18100] =	vst v63  }
0x32: {  	_ =	swait.ge [sflag:s16], $0x100  }
0x33: {  	[sflag:s16] =	ssyncset.done $0x0  }
0x34: {  	[sflag:s16] =	ssyncadd.s32 $0xFFFFFF00  }
0x35: {  	[tilespmem:s26], [sflag:$0x1] =	stream.indirect.gather [hbm4b:s5+s21], $0x80, s4, s21, $0xb8;
	[tilespmem:$0x18100] =	vst v63  }
0x36: {  	p0 =	sne.s32 s3, $0x1;
	_ =	swait.ge [sflag:s28], $0x4000  }
.Ltmp0:
0x37: {  	[sflag:s28] =	ssyncset.done $0x0;
	(pc) =	sbr.rel @!p0 .LBB2_3-.Ltmp0, $4  }
0x38: {  	[sflag:s28] =	ssyncadd.s32 $0xFFFFC000  }
0x39: {  	[spmem:s1] =	stream.indirect.scatter.add.f32 [tilespmem:s26], [sflag:$0x2], $0x80, s21, s21, $0xb8;
	[tilespmem:$0x18100] =	vst v63  }
0x3a: {  	_ =	swait.ge [sflag:s16], $0x4000  }
0x3b: {  	s31 =	sadd.s32 $0xFFFFFFFF, s3;
	s15 =	smov.u32 s0;
	[sflag:s16] =	ssyncset.done $0x0  }
.LBB2_2:
0x3c: {  	p0 =	sne.s32 s31, $0x1;
	[sflag:s16] =	ssyncadd.s32 $0xFFFFC000;
	s15 =	sadd.s32 $0x20, s15  }
0x3d: {  	[tilespmem:s4], [sflag:$0x2] =	stream.linear.gather [hbm4b:s15+s4], $0x100, $0x38;
	[tilespmem:$0x18100] =	vst v63  }
0x3e: {  	s31 =	sadd.s32 $0xFFFFFFFF, s31;
	_ =	swait.ge [sflag:s16], $0x100  }
0x3f: {  	[sflag:s16] =	ssyncset.done $0x0  }
0x40: {  	[sflag:s16] =	ssyncadd.s32 $0xFFFFFF00  }
0x41: {  	[tilespmem:s26], [sflag:$0x1] =	stream.indirect.gather [hbm4b:s5+s21], $0x80, s4, s21, $0xb8;
	[tilespmem:$0x18100] =	vst v63  }
0x42: {  	_ =	swait.ge [sflag:s28], $0x4000  }
.Ltmp1:
0x43: {  	[sflag:s28] =	ssyncset.done $0x0;
	(pc) =	sbr.rel @p0 .LBB2_2-.Ltmp1, $4  }
0x44: {  	[sflag:s28] =	ssyncadd.s32 $0xFFFFC000  }
0x45: {  	[spmem:s1] =	stream.indirect.scatter.add.f32 [tilespmem:s26], [sflag:$0x2], $0x80, s21, s21, $0xb8;
	[tilespmem:$0x18100] =	vst v63  }
0x46: {  	_ =	swait.ge [sflag:s16], $0x4000  }
0x47: {  	[sflag:s16] =	ssyncset.done $0x0  }
.LBB2_3:
0x48: {  	[sflag:s16] =	ssyncadd.s32 $0xFFFFC000  }
0x49: {  	[bflag:$0x0] =	sbarrier.arrive $0xFFFF  }
0x4a: {  	[hbm:s9], [sflag:s8] =	dma.local [spmem:s30], $0x800  }
0x4b: {  	_ =	swait.ge [sflag:s16], $0x800  }
0x4c: {  	[sflag:s16] =	ssyncset.done $0x0  }
0x4d: {  	[sflag:s16] =	ssyncadd.s32 $0xFFFFF800  }
0x4e: {  	[hbm:s11], [sflag:s8] =	dma.local [spmem:s22], $0x800  }
0x4f: {  	_ =	swait.ge [sflag:s16], $0x800  }
0x50: {  	[sflag:s16] =	ssyncset.done $0x0  }
0x51: {  	[sflag:s16] =	ssyncadd.s32 $0xFFFFF800  }
0x52: {  	[hbm:s12], [sflag:s8] =	dma.local [spmem:s23], $0x800  }
0x53: {  	_ =	swait.ge [sflag:s16], $0x800  }
0x54: {  	[sflag:s16] =	ssyncset.done $0x0  }
0x55: {  	[sflag:s16] =	ssyncadd.s32 $0xFFFFF800  }
0x56: {  	[hbm:s13], [sflag:s8] =	dma.local [spmem:s24], $0x800  }
0x57: {  	s29 =	sadd.s32 $0x1, s29;
	_ =	swait.ge [sflag:s16], $0x800  }
0x58: {  	p0 =	sne.s32 s29, s10;
	[sflag:s16] =	ssyncset.done $0x0  }
.Ltmp2:
0x59: {  	[sflag:s16] =	ssyncadd.s32 $0xFFFFF800;
	(pc) =	sbr.rel @p0 .LBB2_1-.Ltmp2, $4  }
0x5a: {  	[hbm:s14], [sflag:s8] =	dma.local [spmem:s25], $0x800  }
0x5b: {  	_ =	swait.ge [sflag:s16], $0x800  }
0x5c: {  	[sflag:s16] =	ssyncset.done $0x0  }
0x5d: {  	[sflag:s16] =	ssyncadd.s32 $0xFFFFF800  }
0x5e: {  	_ =	sfence.sel $0x180000  }
0x5f: {  	[bflag:$0x0] =	sbarrier.arrive $0xFFFF  }
0x60: {  	_ =	strace $0x90000047  }
0x61: {  	[bflag:$0x2] =	sbarrier.arrive $0xFFFF  }
0x62: {  	p0 =	sne.s32 s2, $0x0;
	s0 =	rddreg [dreg:$0x2]  }
0x63: {  	s0 =	sadd.s32 @!p0 $0x100000, s0  }
0x64: {  	[sflag:s0] =	ssyncadd.tile.s32 @!p0 $0x1;
	_ =	shalt  }
.Lfunc_end2:
_tile_overlayer_lowered:
.L_overlay_start_2:
0x65: {  	(tag) =	ssettag $0x2  }
0x66: {  	s0 =	rddreg [dreg:$0x0];
	s2 =	stileid.u32  }
0x67: {  	s1 =	rddreg [dreg:$0x1];
	p0 =	sne.s32 s2, $0x0  }
0x68: {  	s3 =	rddreg [dreg:$0x2];
	[bflag:$0x3] =	sbarrier.arrive $0xFFFF;
	s2 =	simm.s32 @!p0 $0x1C02  }
0x69: {  	[timem:s3], [sflag:s2] =	dma.local @!p0 [hbm:s0], s1  }
0x6a: {  	s0 =	simm.s32 @!p0 $0x2  }
0x6b: {  	_ =	swait.ge @!p0 [sflag:s0], s1  }
0x6c: {  	s1 =	ssub.s32 @!p0 $0x0, s1;
	[sflag:s0] =	ssyncset.done @!p0 $0x0  }
0x6d: {  	[sflag:s0] =	ssyncadd.s32 @!p0 s1  }
0x6e: {  	[bflag:$0x3] =	sbarrier.arrive $0xFFFF  }
0x6f: {  	_ =	shalt  }

// kernel: kernel.18.cloned.1.call-start
scs
__scs_entry_jumppad:
0x0: {  	(pc) =	sbr.rel $0x88, $3  }
0x1: {  	(tag) =	ssettag $0x0;
	lr =	simm.s32 $0x1  }
0x2: {  	[smem:$0x3F8D] =	sst lr;
	_ =	strace $0xD0000000  }
0x3: {  	_ = 	snop  }
0x4: {  	_ = 	snop  }
0x5: {  	_ = 	snop  }
0x6: {  	_ = 	snop  }
0x7: {  	_ = 	snop  }
__scs_overlays_trampoline_lowered:
0x8: {  	[smem:$0x3F9C] =	sst s0  }
0x9: {  	[smem:$0x3F9D] =	sst s1  }
0xa: {  	[smem:$0x3F9E] =	sst s2  }
0xb: {  	[smem:$0x3F9F] =	sst s3  }
0xc: {  	[smem:$0x3FA0] =	sst s4  }
0xd: {  	[smem:$0x3FA1] =	sst s5  }
0xe: {  	[smem:$0x3FA2] =	sst s6  }
0xf: {  	[smem:$0x3FA3] =	sst s7  }
0x10: {  	[smem:$0x3FA4] =	sst s8  }
0x11: {  	[smem:$0x3FA5] =	sst s9;
	s0 =	simm.s32 @!p0 $0x0  }
0x12: {  	s1 =	sld [smem:$0x3F8B];
	s0 =	simm.s32 @p0 $0x1  }
0x13: {  	[smem:$0x3FA6] =	sst s0;
	s0 =	simm.s32 @!p1 $0x0  }
0x14: {  	s2 =	sld [smem:$0x3F8A];
	s0 =	simm.s32 @p1 $0x1  }
0x15: {  	[smem:$0x3FA7] =	sst s0;
	s0 =	simm.s32 @!p2 $0x0  }
0x16: {  	s3 =	sld [smem:$0x3FDB];
	s0 =	simm.s32 @p2 $0x1  }
0x17: {  	s4 =	simm.s32 $0x1BF5;
	[smem:$0x3FA9] =	sst s0  }
0x18: {  	s0 =	sld [smem:$0x3F8C];
	_ =	swait.ge [sflag:s4], $0x0  }
0x19: {  	s7 =	sld [smem:$0x3F8D]  }
0x1a: {  	s8 =	sadd.s32 $0xFFFFE003, lr  }
0x1b: {  	s9 =	sadd.s32 $0xFFFFFEF7, lr;
	s5 =	simm.s32 $0xFFFFFFFF;
	p2 =	slt.u32 s8, $0xFFFFF086  }
0x1c: {  	p1 =	slt.u32 s9, $0xF7A;
	s5 =	simm.s32 @!p2 $0x0  }
0x1d: {  	s5 =	simm.s32 @p1 $0x1;
	p0 =	seq.s32 s7, s2  }
0x1e: {  	s7 =	smul.u32 @!p0 $0xF7A, s2;
	p2 =	seq.s32 @!p0 s5, $0x0  }
0x1f: {  	s9 =	smul.u32 $0xF7A, s1;
	s8 =	simm.s32 @!p0 $0x1BF5;
	p2 =	por !p2, p0  }
0x20: {  	[sflag:s8] =	ssyncset.s32 @!p0 $0xFFFFF086;
	s6 =	sadd.s32 @!p0 s3, s7;
	s7 =	simm.s32 @!p0 $0x108  }
0x21: {  	s3 =	sadd.s32 s3, s9;
	s6 =	sadd.s32 @!p0 $0x88, s6;
	s7 =	simm.s32 @p2 $0x1082  }
0x22: {  	[simem:s7], [sflag:s8] =	dma.local @!p0 [hbm:s6], $0xF7A  }
0x23: {  	s9 =	sor.u32 $0xD0000000, s2;
	s6 =	simm.s32 $0x108;
	_ =	swait.ge @!p0 [sflag:s8], $0x0  }
0x24: {  	s3 =	sadd.s32 $0x88, s3;
	s6 =	simm.s32 @!p1 $0x1082;
	[sflag:s4] =	ssyncset.s32 $0xFFFFF086  }
0x25: {  	[simem:s6], [sflag:s4] =	dma.local [hbm:s3], $0xF7A  }
0x26: {  	[smem:$0x3F8D] =	sst s1;
	(tag) =	ssettag s2;
	_ =	strace s9  }
0x27: {  	s1 =	sld [smem:$0x3F9D]  }
0x28: {  	s2 =	sld [smem:$0x3F9E]  }
0x29: {  	s4 =	sld [smem:$0x3FA0]  }
0x2a: {  	p0 =	seq.s32 s5, $0x0;
	s5 =	sld [smem:$0x3FA1]  }
0x2b: {  	s6 =	sld [smem:$0x3FA2]  }
0x2c: {  	s7 =	sld [smem:$0x3FA3]  }
0x2d: {  	s3 =	simm.s32 $0x108;
	s8 =	sld [smem:$0x3FA4]  }
0x2e: {  	s3 =	simm.s32 @!p0 $0x1082;
	s9 =	sld [smem:$0x3FA5]  }
0x2f: {  	lr =	sadd.s32 s0, s3;
	s0 =	sld [smem:$0x3F9C]  }
0x30: {  	s3 =	sld [smem:$0x3F9F]  }
0x31: {  	[smem:$0x3FA8] =	sst s10  }
0x32: {  	s10 =	sld [smem:$0x3FA6];
	_ =	sdelay $0x3  }
0x33: {  	p0 =	seq.s32 s10, $0x1;
	s10 =	sld [smem:$0x3FA8];
	_ =	sdelay $0x3  }
0x34: {  	[smem:$0x3FA8] =	sst s10  }
0x35: {  	s10 =	sld [smem:$0x3FA7];
	_ =	sdelay $0x3  }
0x36: {  	p1 =	seq.s32 s10, $0x1;
	s10 =	sld [smem:$0x3FA8];
	_ =	sdelay $0x3  }
0x37: {  	[smem:$0x3FA8] =	sst s10  }
0x38: {  	s10 =	sld [smem:$0x3FA9]  }
0x39: {  	_ = 	snop;
	(pc) =	sbr.ind lr, $3  }
0x3a: {  	_ = 	snop  }
0x3b: {  	_ = 	snop  }
0x3c: {  	p2 =	seq.s32 s10, $0x1;
	s10 =	sld [smem:$0x3FA8]  }
0x3d: {  	_ =	shalt  }
0x3e: {  	_ =	shalt  }
0x3f: {  	_ =	shalt  }
0x40: {  	_ =	shalt  }
0x41: {  	_ =	shalt  }
0x42: {  	_ =	shalt  }
0x43: {  	_ =	shalt  }
0x44: {  	_ =	shalt  }
0x45: {  	_ =	shalt  }
0x46: {  	_ =	shalt  }
0x47: {  	_ =	shalt  }
0x48: {  	_ =	shalt  }
0x49: {  	_ =	shalt  }
0x4a: {  	_ =	shalt  }
0x4b: {  	_ =	shalt  }
0x4c: {  	_ =	shalt  }
0x4d: {  	_ =	shalt  }
0x4e: {  	_ =	shalt  }
0x4f: {  	_ =	shalt  }
0x50: {  	_ =	shalt  }
0x51: {  	_ =	shalt  }
0x52: {  	_ =	shalt  }
0x53: {  	_ =	shalt  }
0x54: {  	_ =	shalt  }
0x55: {  	_ =	shalt  }
0x56: {  	_ =	shalt  }
0x57: {  	_ =	shalt  }
0x58: {  	_ =	shalt  }
0x59: {  	_ =	shalt  }
0x5a: {  	_ =	shalt  }
0x5b: {  	_ =	shalt  }
0x5c: {  	_ =	shalt  }
0x5d: {  	_ =	shalt  }
0x5e: {  	_ =	shalt  }
0x5f: {  	_ =	shalt  }
0x60: {  	_ =	shalt  }
0x61: {  	_ =	shalt  }
0x62: {  	_ =	shalt  }
0x63: {  	_ =	shalt  }
0x64: {  	_ =	shalt  }
0x65: {  	_ =	shalt  }
0x66: {  	_ =	shalt  }
0x67: {  	_ =	shalt  }
0x68: {  	_ =	shalt  }
0x69: {  	_ =	shalt  }
0x6a: {  	_ =	shalt  }
0x6b: {  	_ =	shalt  }
0x6c: {  	_ =	shalt  }
0x6d: {  	_ =	shalt  }
0x6e: {  	_ =	shalt  }
0x6f: {  	_ =	shalt  }
0x70: {  	_ =	shalt  }
0x71: {  	_ =	shalt  }
0x72: {  	_ =	shalt  }
0x73: {  	_ =	shalt  }
0x74: {  	_ =	shalt  }
0x75: {  	_ =	shalt  }
0x76: {  	_ =	shalt  }
0x77: {  	_ =	shalt  }
0x78: {  	_ =	shalt  }
0x79: {  	_ =	shalt  }
0x7a: {  	_ =	shalt  }
0x7b: {  	_ =	shalt  }
0x7c: {  	_ =	shalt  }
0x7d: {  	_ =	shalt  }
0x7e: {  	_ =	shalt  }
0x7f: {  	_ =	shalt  }
0x80: {  	_ =	shalt  }
0x81: {  	_ =	shalt  }
0x82: {  	_ =	shalt  }
0x83: {  	_ =	shalt  }
0x84: {  	_ =	shalt  }
0x85: {  	_ =	shalt  }
0x86: {  	_ =	shalt  }
0x87: {  	_ =	shalt  }
.Lfunc_end0:
.L_simem_size_0:
called_computation.1_lowered:
.L_overlay_start_0:
0x88: {  	s2 =	sld [smem:$0x3FD9]  }
0x89: {  	s3 =	sld [smem:$0x3FFE];
	_ =	sdelay $0x1  }
0x8a: {  	s1 =	srdreg.scid  }
0x8b: {  	s0 =	sand.u32 $0x1, s1  }
0x8c: {  	s16 =	sshll.u32 s0, $0xA;
	s2 =	sadd.s32 s3, s2  }
0x8d: {  	s2 =	sadd.s32 s2, s16  }
0x8e: {  	[smem:$0x3FB4] =	sst s2  }
0x8f: {  	_ = 	snop  }
0x90: {  	(tm) =	ssettm $0x1  }
0x91: {  	s17 =	sld [smem:$0x3FFB];
	_ =	sdelay $0x3  }
0x92: {  	_ =	strace s17  }
0x93: {  	s2 =	sld [smem:$0x3FFC];
	_ =	sdelay $0x3  }
0x94: {  	_ =	strace s2  }
0x95: {  	s2 =	sld [smem:$0x3FFD];
	_ =	sdelay $0x3  }
0x96: {  	_ =	strace s2  }
0x97: {  	_ =	strace $0x8FFFFFFF  }
0x98: {  	s18 =	sld [smem:$0x3FDB];
	_ =	sdelay $0x1  }
0x99: {  	s19 =	simm.s32 $_scs_section_size  }
0x9a: {  	s4 =	simm.s32 $_size__tile_overlayer_lowered;
	s5 =	simm.s32 $_tile_overlayer_lowered  }
0x9b: {  	s22 =	simm.s32 $0x1BFF;
	s21 =	sshll.u32 s5, $0x1;
	s2 =	sadd.s32 s19, s18  }
0x9c: {  	s6 =	simm.s32 $0x0;
	s20 =	sshll.u32 s4, $0x1;
	s4 =	sadd.s32 s21, s2  }
0x9d: {  	[timem:s6], [sflag:s22] =	dma.local [hbm:s4], s20  }
0x9e: {  	_ =	swait.ge [sflag:s22], s20  }
0x9f: {  	s3 =	ssub.s32 $0x0, s20;
	[sflag:s22] =	ssyncset.done $0x0  }
0xa0: {  	[sflag:s22] =	ssyncadd.s32 s3;
	_ =	sdelay $0x1  }
0xa1: {  	s23 =	simm.s32 $0x1B8B  }
0xa2: {  	_ =	swait.ge [sflag:s23], $0x1  }
0xa3: {  	[sflag:s23] =	ssyncset.done $0x0  }
0xa4: {  	s25 =	simm.s32 $0x1B8E;
	s24 =	sld [smem:$0x3FFE];
	[sflag:s23] =	ssyncadd.s32 $0xFFFFFFFF  }
0xa5: {  	s26 =	simm.s32 $execute0_lowered;
	[smem:$0x3FD2] =	sst s25  }
0xa6: {  	s4 =	sshll.u32 s26, $0x1;
	_ =	strace $0x80000049;
	[dreg:$0x1] =	wrdreg $0xFFFFFFFF  }
0xa7: {  	s28 =	simm.s32 $_size_execute0_lowered;
	s2 =	sadd.s32 s2, s4;
	[dreg:$0x0] =	wrdreg $0x0  }
0xa8: {  	s4 =	sshll.u32 s28, $0x1;
	[dreg:$0x2] =	wrdreg s2  }
0xa9: {  	[dreg:$0x3] =	wrdreg s4  }
0xaa: {  	[dreg:$0x4] =	wrdreg $0xC0  }
0xab: {  	_ =	task [dreg:s6], $0x5FFFF  }
0xac: {  	[dreg:$0x1] =	wrdreg $0xFFFFFFFF  }
0xad: {  	[dreg:$0x0] =	wrdreg $0x60  }
0xae: {  	[dreg:$0x2] =	wrdreg s24  }
0xaf: {  	[dreg:$0x3] =	wrdreg $0x41000  }
0xb0: {  	[dreg:$0x4] =	wrdreg $0x9  }
0xb1: {  	_ =	task.clear_ibuf [dreg:s6], $0x5FFFF;
	_ =	strace $0x90000049  }
0xb2: {  	s29 =	simm.s32 $0x9;
	_ =	strace $0x8000004B  }
0xb3: {  	_ =	swait.ge [sflag:s29], $0x1  }
0xb4: {  	[sflag:s29] =	ssyncadd.s32 $0xFFFFFFFF  }
0xb5: {  	_ =	strace $0x9000004B  }
0xb6: {  	_ =	sfence  }
0xb7: {  	s30 =	sld [smem:$0x0];
	_ =	sdelay $0x2  }
0xb8: {  	s31 =	sshll.u32 s1, $0xD;
	s1 =	sshrl.u32 s1, $0x2  }
0xb9: {  	s3 =	sand.u32 $0x4000, s31;
	s1 =	sadd.s32 s1, s30  }
0xba: {  	s0 =	sor.u32 s3, s0;
	s1 =	sshll.u32 s1, $0x11  }
0xbb: {  	s0 =	sor.u32 s1, s0  }
0xbc: {  	s0 =	sadd.s32 $0x8F2B, s0  }
0xbd: {  	[sflag:s0] =	ssyncadd.remote.s32 $0x1  }
0xbe: {  	_ =	sfence.sel $0xFFFF  }
0xbf: {  	[dreg:$0x0] =	wrdreg $0xFFFFFFFF;
	(pc) =	sbr.abs _section_cstart, $3  }
0xc0: {  	[dreg:$0x1] =	wrdreg $0xFFFFFFFF  }
0xc1: {  	_ =	task.clear_ibuf [dreg:s6], $0x2FFFF;
	_ =	strace $0x9FFFFFFF  }
0xc2: {  	(tm) =	ssettm $0x7FFFFFFF  }
0xc3: {  	_ =	shalt  }
tec
execute0_lowered:
.L_overlay_start_1:
0x0: {  	(tag) =	ssettag $0x1  }
0x1: {  	s0 =	rddreg [dreg:$0x0]  }
0x2: {  	s2 =	srdreg.scid;
	s1 =	rddreg [dreg:$0x1]  }
0x3: {  	s3 =	simm.s32 $0x5F;
	s4 =	simm.s32 $0x0;
	s28 =	simm.s32 $0x1  }
0x4: {  	s29 =	simm.s32 $0x0;
	s13 =	sand.u32 $0x1, s2;
	s2 =	stileid.u32  }
0x5: {  	[smem:$0x7FF] =	sst s4;
	s5 =	sadd.s32 $0x3F800, s0;
	s14 =	smul.u32 $0x280, s2  }
0x6: {  	p0 =	seq.s32 s13, $0x0;
	_ =	strace $0x8000004A;
	s16 =	smul.u32 $0x2800, s13  }
0x7: {  	s7 =	ssub.s32 $0x2, s13;
	s9 =	smul.u32 $0x50000, s2;
	s22 =	sshll.u32 s2, $0x6  }
0x8: {  	s30 =	smul.u32 $0xBE00, s13;
	s3 =	simm.s32 @!p0 $0x3F;
	s8 =	sshrl.u32 s7, $0x1  }
0x9: {  	s6 =	smul.u32 s2, s3;
	s10 =	ssub.s32 s7, s8;
	s20 =	sadd.s32 s16, s14  }
0xa: {  	s21 =	sshrl.u32 s9, $0x2;
	s8 =	sor.u32 $0x1C02, s22;
	s23 =	sadd.s32 $0x80, s14  }
0xb: {  	s24 =	sadd.s32 $0x100, s14;
	s11 =	sshll.u32 s20, $0x4;
	s7 =	sadd.s32 s21, s1  }
0xc: {  	s10 =	smax.u32 s10, $0x1;
	s12 =	sadd.s32 s16, s23;
	s21 =	sshll.u32 s24, $0x7  }
0xd: {  	s6 =	sshll.u32 s6, $0x5;
	s17 =	sadd.s32 $0x4000, s7;
	s18 =	sadd.s32 $0x8000, s7  }
0xe: {  	s19 =	sadd.s32 $0xC000, s7;
	s20 =	sadd.s32 $0x10000, s7;
	s12 =	sshll.u32 s12, $0x4  }
0xf: {  	s15 =	sadd.s32 s6, s0;
	s6 =	sadd.s32 $0x3F000, s0;
	s0 =	sadd.s32 $0x67800, s0  }
0x10: {  	s17 =	sshrl.u32 s17, $0x3;
	s18 =	sshrl.u32 s18, $0x3;
	s19 =	sshrl.u32 s19, $0x3  }
0x11: {  	s20 =	sshrl.u32 s20, $0x3;
	s9 =	sadd.s32 s0, s11;
	s11 =	sshll.u32 s23, $0x7  }
0x12: {  	s23 =	sadd.s32 $0x180, s14;
	s14 =	sadd.s32 $0x200, s14;
	s15 =	sadd.s32 s30, s15  }
0x13: {  	s22 =	sadd.s32 s11, s1;
	s11 =	sadd.s32 s0, s12;
	s12 =	sadd.s32 s16, s24  }
0x14: {  	s24 =	sadd.s32 s21, s1;
	s25 =	sshll.u32 s23, $0x7;
	s26 =	sadd.s32 s16, s23  }
0x15: {  	s16 =	sadd.s32 s16, s14;
	s14 =	sshll.u32 s14, $0x7;
	s12 =	sshll.u32 s12, $0x4  }
0x16: {  	s25 =	sadd.s32 s25, s1;
	s21 =	sshll.u32 s26, $0x4;
	s26 =	sadd.s32 s14, s1  }
0x17: {  	s31 =	sshll.u32 s16, $0x4;
	s16 =	simm.s32 $0x2;
	s22 =	sshrl.u32 s22, $0x3  }
0x18: {  	s23 =	sshrl.u32 s24, $0x3;
	s12 =	sadd.s32 s0, s12;
	s13 =	sadd.s32 s0, s21  }
0x19: {  	s14 =	sadd.s32 s0, s31;
	s0 =	sadd.s32 $0x2B400, s15;
	s21 =	simm.s32 $0x80  }
0x1a: {  	s24 =	sshrl.u32 s25, $0x3;
	s25 =	sshrl.u32 s26, $0x3;
	s26 =	simm.s32 $0x100  }
.LBB2_1:
0x1b: {  	s30 =	sshrl.u32 s7, $0x3  }
0x1c: {  	[spmem:s30], [sflag:s8] =	dma.local [hbm:s6], $0x800  }
0x1d: {  	_ =	swait.ge [sflag:s16], $0x800  }
0x1e: {  	[sflag:s16] =	ssyncset.done $0x0  }
0x1f: {  	[sflag:s16] =	ssyncadd.s32 $0xFFFFF800  }
0x20: {  	[spmem:s17], [sflag:s8] =	dma.local [hbm:s6], $0x800  }
0x21: {  	_ =	swait.ge [sflag:s16], $0x800  }
0x22: {  	[sflag:s16] =	ssyncset.done $0x0  }
0x23: {  	[sflag:s16] =	ssyncadd.s32 $0xFFFFF800  }
0x24: {  	[spmem:s18], [sflag:s8] =	dma.local [hbm:s6], $0x800  }
0x25: {  	_ =	swait.ge [sflag:s16], $0x800  }
0x26: {  	[sflag:s16] =	ssyncset.done $0x0  }
0x27: {  	[sflag:s16] =	ssyncadd.s32 $0xFFFFF800  }
0x28: {  	[spmem:s19], [sflag:s8] =	dma.local [hbm:s6], $0x800  }
0x29: {  	_ =	swait.ge [sflag:s16], $0x800  }
0x2a: {  	[sflag:s16] =	ssyncset.done $0x0  }
0x2b: {  	[sflag:s16] =	ssyncadd.s32 $0xFFFFF800  }
0x2c: {  	[spmem:s20], [sflag:s8] =	dma.local [hbm:s6], $0x800  }
0x2d: {  	_ =	swait.ge [sflag:s16], $0x800  }
0x2e: {  	[sflag:s16] =	ssyncset.done $0x0  }
0x2f: {  	[sflag:s16] =	ssyncadd.s32 $0xFFFFF800  }
0x30: {  	[bflag:$0x0] =	sbarrier.arrive $0xFFFF  }
0x31: {  	[tilespmem:s4], [sflag:$0x2] =	stream.linear.gather [hbm4b:s0+s4], $0x100, $0x38;
	[tilespmem:$0x18100] =	vst v63  }
0x32: {  	_ =	swait.ge [sflag:s16], $0x100  }
0x33: {  	[sflag:s16] =	ssyncset.done $0x0  }
0x34: {  	[sflag:s16] =	ssyncadd.s32 $0xFFFFFF00  }
0x35: {  	[tilespmem:s26], [sflag:$0x1] =	stream.indirect.gather [hbm4b:s5+s21], $0x80, s4, s21, $0xb8;
	[tilespmem:$0x18100] =	vst v63  }
0x36: {  	p0 =	sne.s32 s3, $0x1;
	_ =	swait.ge [sflag:s28], $0x4000  }
.Ltmp0:
0x37: {  	[sflag:s28] =	ssyncset.done $0x0;
	(pc) =	sbr.rel @!p0 .LBB2_3-.Ltmp0, $4  }
0x38: {  	[sflag:s28] =	ssyncadd.s32 $0xFFFFC000  }
0x39: {  	[spmem:s1] =	stream.indirect.scatter.add.f32 [tilespmem:s26], [sflag:$0x2], $0x80, s21, s21, $0xb8;
	[tilespmem:$0x18100] =	vst v63  }
0x3a: {  	_ =	swait.ge [sflag:s16], $0x4000  }
0x3b: {  	s31 =	sadd.s32 $0xFFFFFFFF, s3;
	s15 =	smov.u32 s0;
	[sflag:s16] =	ssyncset.done $0x0  }
.LBB2_2:
0x3c: {  	p0 =	sne.s32 s31, $0x1;
	[sflag:s16] =	ssyncadd.s32 $0xFFFFC000;
	s15 =	sadd.s32 $0x20, s15  }
0x3d: {  	[tilespmem:s4], [sflag:$0x2] =	stream.linear.gather [hbm4b:s15+s4], $0x100, $0x38;
	[tilespmem:$0x18100] =	vst v63  }
0x3e: {  	s31 =	sadd.s32 $0xFFFFFFFF, s31;
	_ =	swait.ge [sflag:s16], $0x100  }
0x3f: {  	[sflag:s16] =	ssyncset.done $0x0  }
0x40: {  	[sflag:s16] =	ssyncadd.s32 $0xFFFFFF00  }
0x41: {  	[tilespmem:s26], [sflag:$0x1] =	stream.indirect.gather [hbm4b:s5+s21], $0x80, s4, s21, $0xb8;
	[tilespmem:$0x18100] =	vst v63  }
0x42: {  	_ =	swait.ge [sflag:s28], $0x4000  }
.Ltmp1:
0x43: {  	[sflag:s28] =	ssyncset.done $0x0;
	(pc) =	sbr.rel @p0 .LBB2_2-.Ltmp1, $4  }
0x44: {  	[sflag:s28] =	ssyncadd.s32 $0xFFFFC000  }
0x45: {  	[spmem:s1] =	stream.indirect.scatter.add.f32 [tilespmem:s26], [sflag:$0x2], $0x80, s21, s21, $0xb8;
	[tilespmem:$0x18100] =	vst v63  }
0x46: {  	_ =	swait.ge [sflag:s16], $0x4000  }
0x47: {  	[sflag:s16] =	ssyncset.done $0x0  }
.LBB2_3:
0x48: {  	[sflag:s16] =	ssyncadd.s32 $0xFFFFC000  }
0x49: {  	[bflag:$0x0] =	sbarrier.arrive $0xFFFF  }
0x4a: {  	[hbm:s9], [sflag:s8] =	dma.local [spmem:s30], $0x800  }
0x4b: {  	_ =	swait.ge [sflag:s16], $0x800  }
0x4c: {  	[sflag:s16] =	ssyncset.done $0x0  }
0x4d: {  	[sflag:s16] =	ssyncadd.s32 $0xFFFFF800  }
0x4e: {  	[hbm:s11], [sflag:s8] =	dma.local [spmem:s22], $0x800  }
0x4f: {  	_ =	swait.ge [sflag:s16], $0x800  }
0x50: {  	[sflag:s16] =	ssyncset.done $0x0  }
0x51: {  	[sflag:s16] =	ssyncadd.s32 $0xFFFFF800  }
0x52: {  	[hbm:s12], [sflag:s8] =	dma.local [spmem:s23], $0x800  }
0x53: {  	_ =	swait.ge [sflag:s16], $0x800  }
0x54: {  	[sflag:s16] =	ssyncset.done $0x0  }
0x55: {  	[sflag:s16] =	ssyncadd.s32 $0xFFFFF800  }
0x56: {  	[hbm:s13], [sflag:s8] =	dma.local [spmem:s24], $0x800  }
0x57: {  	s29 =	sadd.s32 $0x1, s29;
	_ =	swait.ge [sflag:s16], $0x800  }
0x58: {  	p0 =	sne.s32 s29, s10;
	[sflag:s16] =	ssyncset.done $0x0  }
.Ltmp2:
0x59: {  	[sflag:s16] =	ssyncadd.s32 $0xFFFFF800;
	(pc) =	sbr.rel @p0 .LBB2_1-.Ltmp2, $4  }
0x5a: {  	[hbm:s14], [sflag:s8] =	dma.local [spmem:s25], $0x800  }
0x5b: {  	_ =	swait.ge [sflag:s16], $0x800  }
0x5c: {  	[sflag:s16] =	ssyncset.done $0x0  }
0x5d: {  	[sflag:s16] =	ssyncadd.s32 $0xFFFFF800  }
0x5e: {  	_ =	sfence.sel $0x180000  }
0x5f: {  	[bflag:$0x0] =	sbarrier.arrive $0xFFFF  }
0x60: {  	_ =	strace $0x9000004A  }
0x61: {  	[bflag:$0x2] =	sbarrier.arrive $0xFFFF  }
0x62: {  	p0 =	sne.s32 s2, $0x0;
	s0 =	rddreg [dreg:$0x2]  }
0x63: {  	s0 =	sadd.s32 @!p0 $0x100000, s0  }
0x64: {  	[sflag:s0] =	ssyncadd.tile.s32 @!p0 $0x1;
	_ =	shalt  }
.Lfunc_end2:
_tile_overlayer_lowered:
.L_overlay_start_2:
0x65: {  	(tag) =	ssettag $0x2  }
0x66: {  	s0 =	rddreg [dreg:$0x0];
	s2 =	stileid.u32  }
0x67: {  	s1 =	rddreg [dreg:$0x1];
	p0 =	sne.s32 s2, $0x0  }
0x68: {  	s3 =	rddreg [dreg:$0x2];
	[bflag:$0x3] =	sbarrier.arrive $0xFFFF;
	s2 =	simm.s32 @!p0 $0x1C02  }
0x69: {  	[timem:s3], [sflag:s2] =	dma.local @!p0 [hbm:s0], s1  }
0x6a: {  	s0 =	simm.s32 @!p0 $0x2  }
0x6b: {  	_ =	swait.ge @!p0 [sflag:s0], s1  }
0x6c: {  	s1 =	ssub.s32 @!p0 $0x0, s1;
	[sflag:s0] =	ssyncset.done @!p0 $0x0  }
0x6d: {  	[sflag:s0] =	ssyncadd.s32 @!p0 s1  }
0x6e: {  	[bflag:$0x3] =	sbarrier.arrive $0xFFFF  }
0x6f: {  	_ =	shalt  }

// kernel: kernel.21.cloned.1.call-start
scs
__scs_entry_jumppad:
0x0: {  	(pc) =	sbr.rel $0x88, $3  }
0x1: {  	(tag) =	ssettag $0x0;
	lr =	simm.s32 $0x1  }
0x2: {  	[smem:$0x3F8D] =	sst lr;
	_ =	strace $0xD0000000  }
0x3: {  	_ = 	snop  }
0x4: {  	_ = 	snop  }
0x5: {  	_ = 	snop  }
0x6: {  	_ = 	snop  }
0x7: {  	_ = 	snop  }
__scs_overlays_trampoline_lowered:
0x8: {  	[smem:$0x3F9C] =	sst s0  }
0x9: {  	[smem:$0x3F9D] =	sst s1  }
0xa: {  	[smem:$0x3F9E] =	sst s2  }
0xb: {  	[smem:$0x3F9F] =	sst s3  }
0xc: {  	[smem:$0x3FA0] =	sst s4  }
0xd: {  	[smem:$0x3FA1] =	sst s5  }
0xe: {  	[smem:$0x3FA2] =	sst s6  }
0xf: {  	[smem:$0x3FA3] =	sst s7  }
0x10: {  	[smem:$0x3FA4] =	sst s8  }
0x11: {  	[smem:$0x3FA5] =	sst s9;
	s0 =	simm.s32 @!p0 $0x0  }
0x12: {  	s1 =	sld [smem:$0x3F8B];
	s0 =	simm.s32 @p0 $0x1  }
0x13: {  	[smem:$0x3FA6] =	sst s0;
	s0 =	simm.s32 @!p1 $0x0  }
0x14: {  	s2 =	sld [smem:$0x3F8A];
	s0 =	simm.s32 @p1 $0x1  }
0x15: {  	[smem:$0x3FA7] =	sst s0;
	s0 =	simm.s32 @!p2 $0x0  }
0x16: {  	s3 =	sld [smem:$0x3FDB];
	s0 =	simm.s32 @p2 $0x1  }
0x17: {  	s4 =	simm.s32 $0x1BF5;
	[smem:$0x3FA9] =	sst s0  }
0x18: {  	s0 =	sld [smem:$0x3F8C];
	_ =	swait.ge [sflag:s4], $0x0  }
0x19: {  	s7 =	sld [smem:$0x3F8D]  }
0x1a: {  	s8 =	sadd.s32 $0xFFFFE003, lr  }
0x1b: {  	s9 =	sadd.s32 $0xFFFFFEF7, lr;
	s5 =	simm.s32 $0xFFFFFFFF;
	p2 =	slt.u32 s8, $0xFFFFF086  }
0x1c: {  	p1 =	slt.u32 s9, $0xF7A;
	s5 =	simm.s32 @!p2 $0x0  }
0x1d: {  	s5 =	simm.s32 @p1 $0x1;
	p0 =	seq.s32 s7, s2  }
0x1e: {  	s7 =	smul.u32 @!p0 $0xF7A, s2;
	p2 =	seq.s32 @!p0 s5, $0x0  }
0x1f: {  	s9 =	smul.u32 $0xF7A, s1;
	s8 =	simm.s32 @!p0 $0x1BF5;
	p2 =	por !p2, p0  }
0x20: {  	[sflag:s8] =	ssyncset.s32 @!p0 $0xFFFFF086;
	s6 =	sadd.s32 @!p0 s3, s7;
	s7 =	simm.s32 @!p0 $0x108  }
0x21: {  	s3 =	sadd.s32 s3, s9;
	s6 =	sadd.s32 @!p0 $0x88, s6;
	s7 =	simm.s32 @p2 $0x1082  }
0x22: {  	[simem:s7], [sflag:s8] =	dma.local @!p0 [hbm:s6], $0xF7A  }
0x23: {  	s9 =	sor.u32 $0xD0000000, s2;
	s6 =	simm.s32 $0x108;
	_ =	swait.ge @!p0 [sflag:s8], $0x0  }
0x24: {  	s3 =	sadd.s32 $0x88, s3;
	s6 =	simm.s32 @!p1 $0x1082;
	[sflag:s4] =	ssyncset.s32 $0xFFFFF086  }
0x25: {  	[simem:s6], [sflag:s4] =	dma.local [hbm:s3], $0xF7A  }
0x26: {  	[smem:$0x3F8D] =	sst s1;
	(tag) =	ssettag s2;
	_ =	strace s9  }
0x27: {  	s1 =	sld [smem:$0x3F9D]  }
0x28: {  	s2 =	sld [smem:$0x3F9E]  }
0x29: {  	s4 =	sld [smem:$0x3FA0]  }
0x2a: {  	p0 =	seq.s32 s5, $0x0;
	s5 =	sld [smem:$0x3FA1]  }
0x2b: {  	s6 =	sld [smem:$0x3FA2]  }
0x2c: {  	s7 =	sld [smem:$0x3FA3]  }
0x2d: {  	s3 =	simm.s32 $0x108;
	s8 =	sld [smem:$0x3FA4]  }
0x2e: {  	s3 =	simm.s32 @!p0 $0x1082;
	s9 =	sld [smem:$0x3FA5]  }
0x2f: {  	lr =	sadd.s32 s0, s3;
	s0 =	sld [smem:$0x3F9C]  }
0x30: {  	s3 =	sld [smem:$0x3F9F]  }
0x31: {  	[smem:$0x3FA8] =	sst s10  }
0x32: {  	s10 =	sld [smem:$0x3FA6];
	_ =	sdelay $0x3  }
0x33: {  	p0 =	seq.s32 s10, $0x1;
	s10 =	sld [smem:$0x3FA8];
	_ =	sdelay $0x3  }
0x34: {  	[smem:$0x3FA8] =	sst s10  }
0x35: {  	s10 =	sld [smem:$0x3FA7];
	_ =	sdelay $0x3  }
0x36: {  	p1 =	seq.s32 s10, $0x1;
	s10 =	sld [smem:$0x3FA8];
	_ =	sdelay $0x3  }
0x37: {  	[smem:$0x3FA8] =	sst s10  }
0x38: {  	s10 =	sld [smem:$0x3FA9]  }
0x39: {  	_ = 	snop;
	(pc) =	sbr.ind lr, $3  }
0x3a: {  	_ = 	snop  }
0x3b: {  	_ = 	snop  }
0x3c: {  	p2 =	seq.s32 s10, $0x1;
	s10 =	sld [smem:$0x3FA8]  }
0x3d: {  	_ =	shalt  }
0x3e: {  	_ =	shalt  }
0x3f: {  	_ =	shalt  }
0x40: {  	_ =	shalt  }
0x41: {  	_ =	shalt  }
0x42: {  	_ =	shalt  }
0x43: {  	_ =	shalt  }
0x44: {  	_ =	shalt  }
0x45: {  	_ =	shalt  }
0x46: {  	_ =	shalt  }
0x47: {  	_ =	shalt  }
0x48: {  	_ =	shalt  }
0x49: {  	_ =	shalt  }
0x4a: {  	_ =	shalt  }
0x4b: {  	_ =	shalt  }
0x4c: {  	_ =	shalt  }
0x4d: {  	_ =	shalt  }
0x4e: {  	_ =	shalt  }
0x4f: {  	_ =	shalt  }
0x50: {  	_ =	shalt  }
0x51: {  	_ =	shalt  }
0x52: {  	_ =	shalt  }
0x53: {  	_ =	shalt  }
0x54: {  	_ =	shalt  }
0x55: {  	_ =	shalt  }
0x56: {  	_ =	shalt  }
0x57: {  	_ =	shalt  }
0x58: {  	_ =	shalt  }
0x59: {  	_ =	shalt  }
0x5a: {  	_ =	shalt  }
0x5b: {  	_ =	shalt  }
0x5c: {  	_ =	shalt  }
0x5d: {  	_ =	shalt  }
0x5e: {  	_ =	shalt  }
0x5f: {  	_ =	shalt  }
0x60: {  	_ =	shalt  }
0x61: {  	_ =	shalt  }
0x62: {  	_ =	shalt  }
0x63: {  	_ =	shalt  }
0x64: {  	_ =	shalt  }
0x65: {  	_ =	shalt  }
0x66: {  	_ =	shalt  }
0x67: {  	_ =	shalt  }
0x68: {  	_ =	shalt  }
0x69: {  	_ =	shalt  }
0x6a: {  	_ =	shalt  }
0x6b: {  	_ =	shalt  }
0x6c: {  	_ =	shalt  }
0x6d: {  	_ =	shalt  }
0x6e: {  	_ =	shalt  }
0x6f: {  	_ =	shalt  }
0x70: {  	_ =	shalt  }
0x71: {  	_ =	shalt  }
0x72: {  	_ =	shalt  }
0x73: {  	_ =	shalt  }
0x74: {  	_ =	shalt  }
0x75: {  	_ =	shalt  }
0x76: {  	_ =	shalt  }
0x77: {  	_ =	shalt  }
0x78: {  	_ =	shalt  }
0x79: {  	_ =	shalt  }
0x7a: {  	_ =	shalt  }
0x7b: {  	_ =	shalt  }
0x7c: {  	_ =	shalt  }
0x7d: {  	_ =	shalt  }
0x7e: {  	_ =	shalt  }
0x7f: {  	_ =	shalt  }
0x80: {  	_ =	shalt  }
0x81: {  	_ =	shalt  }
0x82: {  	_ =	shalt  }
0x83: {  	_ =	shalt  }
0x84: {  	_ =	shalt  }
0x85: {  	_ =	shalt  }
0x86: {  	_ =	shalt  }
0x87: {  	_ =	shalt  }
.Lfunc_end0:
.L_simem_size_0:
called_computation.2_lowered:
.L_overlay_start_0:
0x88: {  	s2 =	sld [smem:$0x3FD9]  }
0x89: {  	s3 =	sld [smem:$0x3FFE];
	_ =	sdelay $0x1  }
0x8a: {  	s1 =	srdreg.scid  }
0x8b: {  	s0 =	sand.u32 $0x1, s1  }
0x8c: {  	s16 =	sshll.u32 s0, $0xA;
	s2 =	sadd.s32 s3, s2  }
0x8d: {  	s2 =	sadd.s32 s2, s16  }
0x8e: {  	[smem:$0x3FB4] =	sst s2  }
0x8f: {  	_ = 	snop  }
0x90: {  	(tm) =	ssettm $0x1  }
0x91: {  	s17 =	sld [smem:$0x3FFB];
	_ =	sdelay $0x3  }
0x92: {  	_ =	strace s17  }
0x93: {  	s2 =	sld [smem:$0x3FFC];
	_ =	sdelay $0x3  }
0x94: {  	_ =	strace s2  }
0x95: {  	s2 =	sld [smem:$0x3FFD];
	_ =	sdelay $0x3  }
0x96: {  	_ =	strace s2  }
0x97: {  	_ =	strace $0x8FFFFFFF  }
0x98: {  	s18 =	sld [smem:$0x3FDB];
	_ =	sdelay $0x1  }
0x99: {  	s19 =	simm.s32 $_scs_section_size  }
0x9a: {  	s4 =	simm.s32 $_size__tile_overlayer_lowered;
	s5 =	simm.s32 $_tile_overlayer_lowered  }
0x9b: {  	s22 =	simm.s32 $0x1BFF;
	s21 =	sshll.u32 s5, $0x1;
	s2 =	sadd.s32 s19, s18  }
0x9c: {  	s6 =	simm.s32 $0x0;
	s20 =	sshll.u32 s4, $0x1;
	s4 =	sadd.s32 s21, s2  }
0x9d: {  	[timem:s6], [sflag:s22] =	dma.local [hbm:s4], s20  }
0x9e: {  	_ =	swait.ge [sflag:s22], s20  }
0x9f: {  	s3 =	ssub.s32 $0x0, s20;
	[sflag:s22] =	ssyncset.done $0x0  }
0xa0: {  	[sflag:s22] =	ssyncadd.s32 s3;
	_ =	sdelay $0x1  }
0xa1: {  	s23 =	simm.s32 $0x1B8B  }
0xa2: {  	_ =	swait.ge [sflag:s23], $0x1  }
0xa3: {  	[sflag:s23] =	ssyncset.done $0x0  }
0xa4: {  	s25 =	simm.s32 $0x1B8E;
	s24 =	sld [smem:$0x3FFE];
	[sflag:s23] =	ssyncadd.s32 $0xFFFFFFFF  }
0xa5: {  	s26 =	simm.s32 $execute0_lowered;
	[smem:$0x3FD2] =	sst s25  }
0xa6: {  	s4 =	sshll.u32 s26, $0x1;
	_ =	strace $0x8000004C;
	[dreg:$0x1] =	wrdreg $0xFFFFFFFF  }
0xa7: {  	s28 =	simm.s32 $_size_execute0_lowered;
	s2 =	sadd.s32 s2, s4;
	[dreg:$0x0] =	wrdreg $0x0  }
0xa8: {  	s4 =	sshll.u32 s28, $0x1;
	[dreg:$0x2] =	wrdreg s2  }
0xa9: {  	[dreg:$0x3] =	wrdreg s4  }
0xaa: {  	[dreg:$0x4] =	wrdreg $0xC0  }
0xab: {  	_ =	task [dreg:s6], $0x5FFFF  }
0xac: {  	[dreg:$0x1] =	wrdreg $0xFFFFFFFF  }
0xad: {  	[dreg:$0x0] =	wrdreg $0x60  }
0xae: {  	[dreg:$0x2] =	wrdreg s24  }
0xaf: {  	[dreg:$0x3] =	wrdreg $0x41000  }
0xb0: {  	[dreg:$0x4] =	wrdreg $0x9  }
0xb1: {  	_ =	task.clear_ibuf [dreg:s6], $0x5FFFF;
	_ =	strace $0x9000004C  }
0xb2: {  	s29 =	simm.s32 $0x9;
	_ =	strace $0x8000004E  }
0xb3: {  	_ =	swait.ge [sflag:s29], $0x1  }
0xb4: {  	[sflag:s29] =	ssyncadd.s32 $0xFFFFFFFF  }
0xb5: {  	_ =	strace $0x9000004E  }
0xb6: {  	_ =	sfence  }
0xb7: {  	s30 =	sld [smem:$0x0];
	_ =	sdelay $0x2  }
0xb8: {  	s31 =	sshll.u32 s1, $0xD;
	s1 =	sshrl.u32 s1, $0x2  }
0xb9: {  	s3 =	sand.u32 $0x4000, s31;
	s1 =	sadd.s32 s1, s30  }
0xba: {  	s0 =	sor.u32 s3, s0;
	s1 =	sshll.u32 s1, $0x11  }
0xbb: {  	s0 =	sor.u32 s1, s0  }
0xbc: {  	s0 =	sadd.s32 $0x8F2B, s0  }
0xbd: {  	[sflag:s0] =	ssyncadd.remote.s32 $0x1  }
0xbe: {  	_ =	sfence.sel $0xFFFF  }
0xbf: {  	[dreg:$0x0] =	wrdreg $0xFFFFFFFF;
	(pc) =	sbr.abs _section_cstart, $3  }
0xc0: {  	[dreg:$0x1] =	wrdreg $0xFFFFFFFF  }
0xc1: {  	_ =	task.clear_ibuf [dreg:s6], $0x2FFFF;
	_ =	strace $0x9FFFFFFF  }
0xc2: {  	(tm) =	ssettm $0x7FFFFFFF  }
0xc3: {  	_ =	shalt  }
tec
execute0_lowered:
.L_overlay_start_1:
0x0: {  	(tag) =	ssettag $0x1  }
0x1: {  	s0 =	rddreg [dreg:$0x0]  }
0x2: {  	s2 =	srdreg.scid;
	s1 =	rddreg [dreg:$0x1]  }
0x3: {  	s3 =	simm.s32 $0x5F;
	s4 =	simm.s32 $0x0;
	s28 =	simm.s32 $0x1  }
0x4: {  	s29 =	simm.s32 $0x0;
	s13 =	sand.u32 $0x1, s2;
	s2 =	stileid.u32  }
0x5: {  	[smem:$0x7FF] =	sst s4;
	s5 =	sadd.s32 $0x3F800, s0;
	s14 =	smul.u32 $0x280, s2  }
0x6: {  	p0 =	seq.s32 s13, $0x0;
	_ =	strace $0x8000004D;
	s16 =	smul.u32 $0x2800, s13  }
0x7: {  	s7 =	ssub.s32 $0x2, s13;
	s9 =	smul.u32 $0x50000, s2;
	s22 =	sshll.u32 s2, $0x6  }
0x8: {  	s30 =	smul.u32 $0xBE00, s13;
	s3 =	simm.s32 @!p0 $0x3F;
	s8 =	sshrl.u32 s7, $0x1  }
0x9: {  	s6 =	smul.u32 s2, s3;
	s10 =	ssub.s32 s7, s8;
	s20 =	sadd.s32 s16, s14  }
0xa: {  	s21 =	sshrl.u32 s9, $0x2;
	s8 =	sor.u32 $0x1C02, s22;
	s23 =	sadd.s32 $0x80, s14  }
0xb: {  	s24 =	sadd.s32 $0x100, s14;
	s11 =	sshll.u32 s20, $0x4;
	s7 =	sadd.s32 s21, s1  }
0xc: {  	s10 =	smax.u32 s10, $0x1;
	s12 =	sadd.s32 s16, s23;
	s21 =	sshll.u32 s24, $0x7  }
0xd: {  	s6 =	sshll.u32 s6, $0x5;
	s17 =	sadd.s32 $0x4000, s7;
	s18 =	sadd.s32 $0x8000, s7  }
0xe: {  	s19 =	sadd.s32 $0xC000, s7;
	s20 =	sadd.s32 $0x10000, s7;
	s12 =	sshll.u32 s12, $0x4  }
0xf: {  	s15 =	sadd.s32 s6, s0;
	s6 =	sadd.s32 $0x3F000, s0;
	s0 =	sadd.s32 $0x67800, s0  }
0x10: {  	s17 =	sshrl.u32 s17, $0x3;
	s18 =	sshrl.u32 s18, $0x3;
	s19 =	sshrl.u32 s19, $0x3  }
0x11: {  	s20 =	sshrl.u32 s20, $0x3;
	s9 =	sadd.s32 s0, s11;
	s11 =	sshll.u32 s23, $0x7  }
0x12: {  	s23 =	sadd.s32 $0x180, s14;
	s14 =	sadd.s32 $0x200, s14;
	s15 =	sadd.s32 s30, s15  }
0x13: {  	s22 =	sadd.s32 s11, s1;
	s11 =	sadd.s32 s0, s12;
	s12 =	sadd.s32 s16, s24  }
0x14: {  	s24 =	sadd.s32 s21, s1;
	s25 =	sshll.u32 s23, $0x7;
	s26 =	sadd.s32 s16, s23  }
0x15: {  	s16 =	sadd.s32 s16, s14;
	s14 =	sshll.u32 s14, $0x7;
	s12 =	sshll.u32 s12, $0x4  }
0x16: {  	s25 =	sadd.s32 s25, s1;
	s21 =	sshll.u32 s26, $0x4;
	s26 =	sadd.s32 s14, s1  }
0x17: {  	s31 =	sshll.u32 s16, $0x4;
	s16 =	simm.s32 $0x2;
	s22 =	sshrl.u32 s22, $0x3  }
0x18: {  	s23 =	sshrl.u32 s24, $0x3;
	s12 =	sadd.s32 s0, s12;
	s13 =	sadd.s32 s0, s21  }
0x19: {  	s14 =	sadd.s32 s0, s31;
	s0 =	sadd.s32 $0x2B400, s15;
	s21 =	simm.s32 $0x80  }
0x1a: {  	s24 =	sshrl.u32 s25, $0x3;
	s25 =	sshrl.u32 s26, $0x3;
	s26 =	simm.s32 $0x100  }
.LBB2_1:
0x1b: {  	s30 =	sshrl.u32 s7, $0x3  }
0x1c: {  	[spmem:s30], [sflag:s8] =	dma.local [hbm:s6], $0x800  }
0x1d: {  	_ =	swait.ge [sflag:s16], $0x800  }
0x1e: {  	[sflag:s16] =	ssyncset.done $0x0  }
0x1f: {  	[sflag:s16] =	ssyncadd.s32 $0xFFFFF800  }
0x20: {  	[spmem:s17], [sflag:s8] =	dma.local [hbm:s6], $0x800  }
0x21: {  	_ =	swait.ge [sflag:s16], $0x800  }
0x22: {  	[sflag:s16] =	ssyncset.done $0x0  }
0x23: {  	[sflag:s16] =	ssyncadd.s32 $0xFFFFF800  }
0x24: {  	[spmem:s18], [sflag:s8] =	dma.local [hbm:s6], $0x800  }
0x25: {  	_ =	swait.ge [sflag:s16], $0x800  }
0x26: {  	[sflag:s16] =	ssyncset.done $0x0  }
0x27: {  	[sflag:s16] =	ssyncadd.s32 $0xFFFFF800  }
0x28: {  	[spmem:s19], [sflag:s8] =	dma.local [hbm:s6], $0x800  }
0x29: {  	_ =	swait.ge [sflag:s16], $0x800  }
0x2a: {  	[sflag:s16] =	ssyncset.done $0x0  }
0x2b: {  	[sflag:s16] =	ssyncadd.s32 $0xFFFFF800  }
0x2c: {  	[spmem:s20], [sflag:s8] =	dma.local [hbm:s6], $0x800  }
0x2d: {  	_ =	swait.ge [sflag:s16], $0x800  }
0x2e: {  	[sflag:s16] =	ssyncset.done $0x0  }
0x2f: {  	[sflag:s16] =	ssyncadd.s32 $0xFFFFF800  }
0x30: {  	[bflag:$0x0] =	sbarrier.arrive $0xFFFF  }
0x31: {  	[tilespmem:s4], [sflag:$0x2] =	stream.linear.gather [hbm4b:s0+s4], $0x100, $0x38;
	[tilespmem:$0x18100] =	vst v63  }
0x32: {  	_ =	swait.ge [sflag:s16], $0x100  }
0x33: {  	[sflag:s16] =	ssyncset.done $0x0  }
0x34: {  	[sflag:s16] =	ssyncadd.s32 $0xFFFFFF00  }
0x35: {  	[tilespmem:s26], [sflag:$0x1] =	stream.indirect.gather [hbm4b:s5+s21], $0x80, s4, s21, $0xb8;
	[tilespmem:$0x18100] =	vst v63  }
0x36: {  	p0 =	sne.s32 s3, $0x1;
	_ =	swait.ge [sflag:s28], $0x4000  }
.Ltmp0:
0x37: {  	[sflag:s28] =	ssyncset.done $0x0;
	(pc) =	sbr.rel @!p0 .LBB2_3-.Ltmp0, $4  }
0x38: {  	[sflag:s28] =	ssyncadd.s32 $0xFFFFC000  }
0x39: {  	[spmem:s1] =	stream.indirect.scatter.add.f32 [tilespmem:s26], [sflag:$0x2], $0x80, s21, s21, $0xb8;
	[tilespmem:$0x18100] =	vst v63  }
0x3a: {  	_ =	swait.ge [sflag:s16], $0x4000  }
0x3b: {  	s31 =	sadd.s32 $0xFFFFFFFF, s3;
	s15 =	smov.u32 s0;
	[sflag:s16] =	ssyncset.done $0x0  }
.LBB2_2:
0x3c: {  	p0 =	sne.s32 s31, $0x1;
	[sflag:s16] =	ssyncadd.s32 $0xFFFFC000;
	s15 =	sadd.s32 $0x20, s15  }
0x3d: {  	[tilespmem:s4], [sflag:$0x2] =	stream.linear.gather [hbm4b:s15+s4], $0x100, $0x38;
	[tilespmem:$0x18100] =	vst v63  }
0x3e: {  	s31 =	sadd.s32 $0xFFFFFFFF, s31;
	_ =	swait.ge [sflag:s16], $0x100  }
0x3f: {  	[sflag:s16] =	ssyncset.done $0x0  }
0x40: {  	[sflag:s16] =	ssyncadd.s32 $0xFFFFFF00  }
0x41: {  	[tilespmem:s26], [sflag:$0x1] =	stream.indirect.gather [hbm4b:s5+s21], $0x80, s4, s21, $0xb8;
	[tilespmem:$0x18100] =	vst v63  }
0x42: {  	_ =	swait.ge [sflag:s28], $0x4000  }
.Ltmp1:
0x43: {  	[sflag:s28] =	ssyncset.done $0x0;
	(pc) =	sbr.rel @p0 .LBB2_2-.Ltmp1, $4  }
0x44: {  	[sflag:s28] =	ssyncadd.s32 $0xFFFFC000  }
0x45: {  	[spmem:s1] =	stream.indirect.scatter.add.f32 [tilespmem:s26], [sflag:$0x2], $0x80, s21, s21, $0xb8;
	[tilespmem:$0x18100] =	vst v63  }
0x46: {  	_ =	swait.ge [sflag:s16], $0x4000  }
0x47: {  	[sflag:s16] =	ssyncset.done $0x0  }
.LBB2_3:
0x48: {  	[sflag:s16] =	ssyncadd.s32 $0xFFFFC000  }
0x49: {  	[bflag:$0x0] =	sbarrier.arrive $0xFFFF  }
0x4a: {  	[hbm:s9], [sflag:s8] =	dma.local [spmem:s30], $0x800  }
0x4b: {  	_ =	swait.ge [sflag:s16], $0x800  }
0x4c: {  	[sflag:s16] =	ssyncset.done $0x0  }
0x4d: {  	[sflag:s16] =	ssyncadd.s32 $0xFFFFF800  }
0x4e: {  	[hbm:s11], [sflag:s8] =	dma.local [spmem:s22], $0x800  }
0x4f: {  	_ =	swait.ge [sflag:s16], $0x800  }
0x50: {  	[sflag:s16] =	ssyncset.done $0x0  }
0x51: {  	[sflag:s16] =	ssyncadd.s32 $0xFFFFF800  }
0x52: {  	[hbm:s12], [sflag:s8] =	dma.local [spmem:s23], $0x800  }
0x53: {  	_ =	swait.ge [sflag:s16], $0x800  }
0x54: {  	[sflag:s16] =	ssyncset.done $0x0  }
0x55: {  	[sflag:s16] =	ssyncadd.s32 $0xFFFFF800  }
0x56: {  	[hbm:s13], [sflag:s8] =	dma.local [spmem:s24], $0x800  }
0x57: {  	s29 =	sadd.s32 $0x1, s29;
	_ =	swait.ge [sflag:s16], $0x800  }
0x58: {  	p0 =	sne.s32 s29, s10;
	[sflag:s16] =	ssyncset.done $0x0  }
.Ltmp2:
0x59: {  	[sflag:s16] =	ssyncadd.s32 $0xFFFFF800;
	(pc) =	sbr.rel @p0 .LBB2_1-.Ltmp2, $4  }
0x5a: {  	[hbm:s14], [sflag:s8] =	dma.local [spmem:s25], $0x800  }
0x5b: {  	_ =	swait.ge [sflag:s16], $0x800  }
0x5c: {  	[sflag:s16] =	ssyncset.done $0x0  }
0x5d: {  	[sflag:s16] =	ssyncadd.s32 $0xFFFFF800  }
0x5e: {  	_ =	sfence.sel $0x180000  }
0x5f: {  	[bflag:$0x0] =	sbarrier.arrive $0xFFFF  }
0x60: {  	_ =	strace $0x9000004D  }
0x61: {  	[bflag:$0x2] =	sbarrier.arrive $0xFFFF  }
0x62: {  	p0 =	sne.s32 s2, $0x0;
	s0 =	rddreg [dreg:$0x2]  }
0x63: {  	s0 =	sadd.s32 @!p0 $0x100000, s0  }
0x64: {  	[sflag:s0] =	ssyncadd.tile.s32 @!p0 $0x1;
	_ =	shalt  }
.Lfunc_end2:
_tile_overlayer_lowered:
.L_overlay_start_2:
0x65: {  	(tag) =	ssettag $0x2  }
0x66: {  	s0 =	rddreg [dreg:$0x0];
	s2 =	stileid.u32  }
0x67: {  	s1 =	rddreg [dreg:$0x1];
	p0 =	sne.s32 s2, $0x0  }
0x68: {  	s3 =	rddreg [dreg:$0x2];
	[bflag:$0x3] =	sbarrier.arrive $0xFFFF;
	s2 =	simm.s32 @!p0 $0x1C02  }
0x69: {  	[timem:s3], [sflag:s2] =	dma.local @!p0 [hbm:s0], s1  }
0x6a: {  	s0 =	simm.s32 @!p0 $0x2  }
0x6b: {  	_ =	swait.ge @!p0 [sflag:s0], s1  }
0x6c: {  	s1 =	ssub.s32 @!p0 $0x0, s1;
	[sflag:s0] =	ssyncset.done @!p0 $0x0  }
0x6d: {  	[sflag:s0] =	ssyncadd.s32 @!p0 s1  }
0x6e: {  	[bflag:$0x3] =	sbarrier.arrive $0xFFFF  }
0x6f: {  	_ =	shalt  }

</sc_bundles>
